<compile_context>
chip_gen: v7x
topology: tpu7x:2x2x1
jax: 0.10.2.dev20260603
libtpu: 0.0.44.dev20260713+nightly
codegen_flags: <defaults>
</compile_context>

<pallas_src>
import jax
import jax.numpy as jnp
from jax import lax
from jax.experimental import pallas as pl
from jax.experimental.pallas import tpu as pltpu
from jax.experimental.pallas import tpu_sc as plsc

B = 16
P = 512
D = 256
T = 2048
L = 16
HALF = T // 2
C = 128
NCH = HALF // C


def _zero_rows(buf, r_lo, r_hi):
    zeros = jnp.zeros((L,), jnp.float32)

    def body(r, _):
        for k in range(D // L):
            buf[r, pl.ds(k * L, L)] = zeros
        return 0

    lax.fori_loop(r_lo, r_hi, body, 0)


def _lr_body(x_hbm, dur_hbm, out_hbm, mel_hbm,
             dur_v, map_v, idx_v, gbuf, mel_v, mel2_v, durall_v,
             gsem, wsem0, wsem1):
    b = lax.axis_index("s")
    h = lax.axis_index("c")

    lane15 = jnp.full((L,), L - 1, jnp.int32)

    dur_dma = pltpu.async_copy(dur_hbm.at[b], dur_v, gsem)
    zi = jnp.zeros((L,), jnp.int32)

    def zmap(i, _):
        map_v[pl.ds(i * L, L)] = zi
        return 0

    lax.fori_loop(0, T // L, zmap, 0)
    dur_dma.wait()

    def csum(i, carry):
        d = dur_v[pl.ds(i * L, L)]
        c = plsc.cumsum(d)
        s = c + carry
        start = s - d
        pvec = lax.iota(jnp.int32, 16) + i * L
        msk = (d > 0) & (start < T)
        plsc.store_scatter(map_v, [start], pvec, mask=msk)
        return carry + jnp.take_along_axis(c, lane15, axis=0)

    mel_vec = lax.fori_loop(0, P // L, csum, jnp.zeros((L,), jnp.int32))
    mel_len = jnp.max(mel_vec)


    base = b * P
    UNR = 4

    def cmx(i, mc):
        for k in range(UNR):
            off = i * (UNR * L) + k * L
            t = plsc.cummax(map_v[pl.ds(off, L)])
            tb = jnp.take_along_axis(t, lane15, axis=0)
            fr = lax.iota(jnp.int32, 16) + off
            ph = jnp.where(fr < mel_vec, jnp.maximum(t, mc), fr & (P - 1))
            idx_v[pl.ds(off, L)] = ph + base
            mc = jnp.maximum(mc, tb)
        return mc

    lax.fori_loop(0, T // (UNR * L), cmx, jnp.zeros((L,), jnp.int32))

    nv = jnp.clip(mel_len, 0, T)
    row0 = b * T
    bufs = (gbuf.at[0], gbuf.at[1])
    wsems = (wsem0, wsem1)
    par = h ^ (b & 1)

    def chunk_pair(jj, _):
        for q in range(2):
            g = 4 * jj + 2 * q + par
            nvj = nv - g * C
            zc = jnp.clip(nvj, 0, C)
            prev = jnp.where(jj > 0, jnp.clip(nvj + 4 * C, 0, C), C)

            @pl.when(jj > 0)
            def _wait_prev():
                pltpu.make_async_copy(
                    bufs[q], out_hbm.at[pl.ds(row0 + (g - 4) * C, C)], wsems[q]
                ).wait()

            @pl.when(nvj > 0)
            def _gather():
                idx_slice = idx_v.at[pl.ds(g * C, C)]
                pltpu.async_copy(x_hbm.at[idx_slice], bufs[q], gsem).wait()

            _zero_rows(bufs[q], zc, prev)

            pltpu.async_copy(
                bufs[q], out_hbm.at[pl.ds(row0 + g * C, C)], wsems[q])
        return 0

    lax.fori_loop(0, NCH // 2, chunk_pair, 0)

    @pl.when((h == 0) & (b == 0))
    def _emit_mel():
        pltpu.sync_copy(dur_hbm, durall_v)
        UNM = 4

        def one_batch(bb, _):
            def accum(i, a):
                for k in range(UNM):
                    a = a + durall_v[bb, pl.ds((i * UNM + k) * L, L)]
                return a

            acc = lax.fori_loop(0, P // (UNM * L), accum,
                                jnp.zeros((L,), jnp.int32))
            tot = plsc.cumsum(acc)
            mel2_v[bb, :] = jnp.take_along_axis(tot, lane15, axis=0)
            return 0

        lax.fori_loop(0, B, one_batch, 0)
        mel_v[...] = plsc.load_gather(
            mel2_v, [lax.iota(jnp.int32, 16), jnp.zeros((L,), jnp.int32)])

    for q in range(2):
        g = 2 * (NCH - 2 + q) + par
        pltpu.make_async_copy(
            bufs[q], out_hbm.at[pl.ds(row0 + g * C, C)], wsems[q]
        ).wait()

    @pl.when((h == 0) & (b == 0))
    def _write_mel():
        pltpu.sync_copy(mel_v, mel_hbm)


@jax.jit
def _length_regulate(x_flat, duration):
    mesh = plsc.VectorSubcoreMesh(core_axis_name="c", subcore_axis_name="s")
    out, mel = pl.kernel(
        _lr_body,
        out_type=[
            jax.ShapeDtypeStruct((B * T, D), jnp.float32),
            jax.ShapeDtypeStruct((B,), jnp.int32),
        ],
        mesh=mesh,
        compiler_params=pltpu.CompilerParams(needs_layout_passes=False),
        scratch_types=[
            pltpu.VMEM((P,), jnp.int32),
            pltpu.VMEM((T,), jnp.int32),
            pltpu.VMEM((T,), jnp.int32),
            pltpu.VMEM((2, C, D), jnp.float32),
            pltpu.VMEM((L,), jnp.int32),
            pltpu.VMEM((B, L), jnp.int32),
            pltpu.VMEM((B, P), jnp.int32),
            pltpu.SemaphoreType.DMA,
            pltpu.SemaphoreType.DMA,
            pltpu.SemaphoreType.DMA,
        ],
    )(x_flat, duration)
    return out, mel


def kernel(x, duration, max_len):
    x_flat = x.reshape(B * P, D)
    out, mel = _length_regulate(x_flat, duration.astype(jnp.int32))
    return out.reshape(B, T, D), mel

# --- scband reference (transcript-rebuilt; emitter-appended) ---
"""Pipeline reference for scband-length-regulator-with-alignment-23974507446349 (READ-ONLY COPY).

The authoritative reference and input builder live on the scoring server;
editing this copy changes nothing except your own understanding.
"""

import jax, jax.numpy as jnp
import numpy as np


def setup_inputs(seed: int = 0) -> dict:
    key = jax.random.key(seed)
    k1, k2 = jax.random.split(key)
    x = jax.random.normal(k1, (16, 512, 256), dtype=jnp.float32)
    duration = jax.random.randint(k2, (16, 512), 0, 5, dtype=jnp.int32)
    return {"x": x, "duration": duration, "max_len": 2048}


def reference(x, duration, max_len):
    # Length regulator: expand each phoneme representation by its duration,
    # then pad every sequence to max_len with zeros (faithful to the torch loop,
    # vectorized via cumulative durations + searchsorted gather).
    dur = duration.astype(jnp.int32)
    csum = jnp.cumsum(dur, axis=1)            # [B, P] exclusive upper bounds per phoneme
    mel_lens = csum[:, -1]                    # [B] true expanded lengths
    MAX_LEN = 2048
    frames = jnp.arange(MAX_LEN) + max_len * 0  # [T]
    # frame t maps to phoneme p with csum[p-1] <= t < csum[p]; zero-duration
    # phonemes are skipped automatically by side='right'.
    ph_idx = jax.vmap(lambda c: jnp.searchsorted(c, frames, side='right'))(csum)  # [B, T]
    ph_idx = jnp.minimum(ph_idx, x.shape[1] - 1)
    gathered = jnp.take_along_axis(x, ph_idx[:, :, None], axis=1)  # [B, T, D]
    mask = (frames[None, :] < mel_lens[:, None]).astype(x.dtype)   # [B, T]
    out = gathered * mask[:, :, None]                              # zero-pad tail frames
    return out, mel_lens

if __name__ == "__main__":
    import jax
    _d = setup_inputs()
    print(jax.jit(kernel)(*tuple(_d.values())))

</pallas_src>

<mosaic_0001>
#map = affine_map<(d0, d1) -> (0, 0)>
#map1 = affine_map<(d0, d1) -> (0)>
module attributes {stable_mosaic.version = 14 : i64} {
  func.func @_lr_body(%arg0: i32, %arg1: i32, %arg2: memref<8192x256xf32, #tpu.memory_space<hbm>>, %arg3: memref<16x512xi32, #tpu.memory_space<hbm>>, %arg4: memref<32768x256xf32, #tpu.memory_space<hbm>>, %arg5: memref<16xi32, #tpu.memory_space<hbm>>, %arg6: memref<512xi32, #tpu.memory_space<vmem>>, %arg7: memref<2048xi32, #tpu.memory_space<vmem>>, %arg8: memref<2048xi32, #tpu.memory_space<vmem>>, %arg9: memref<2x128x256xf32, #tpu.memory_space<vmem>>, %arg10: memref<16xi32, #tpu.memory_space<vmem>>, %arg11: memref<16x16xi32, #tpu.memory_space<vmem>>, %arg12: memref<16x512xi32, #tpu.memory_space<vmem>>, %arg13: memref<!tpu.dma_semaphore, #tpu.memory_space<semaphore_mem>>, %arg14: memref<!tpu.dma_semaphore, #tpu.memory_space<semaphore_mem>>, %arg15: memref<!tpu.dma_semaphore, #tpu.memory_space<semaphore_mem>>) attributes {dimension_semantics = [#tpu.dimension_semantics<core_parallel>, #tpu.dimension_semantics<subcore_parallel>], iteration_bounds = array<i64: 2, 16>, scalar_prefetch = 0 : i64, scratch_operands = 10 : i64, tpu.core_type = #tpu.core_type<sc_vector_subcore>, window_params = [{transform_indices = #map}, {transform_indices = #map}, {transform_indices = #map}, {transform_indices = #map1}]} {
    %broadcast_in_dim3A = arith.constant 15 : i32
    %broadcast_in_dim3A_0 = vector.broadcast %broadcast_in_dim3A : i32 to vector<16xi32>
    %dma_start3A = arith.constant 0 : i32
    %dma_start3A_1 = tpu.memref_slice %arg3[%arg1, %dma_start3A] : memref<16x512xi32, #tpu.memory_space<hbm>> -> memref<1x512xi32, #tpu.memory_space<hbm>>
    %dma_start3A_2 = tpu.memref_squeeze %dma_start3A_1 : memref<1x512xi32, #tpu.memory_space<hbm>> -> memref<512xi32, #tpu.memory_space<hbm>>
    %dma_start3A_3 = arith.constant 0 : i32
    %dma_start3A_4 = tpu.memref_slice %arg3[%arg1, %dma_start3A_3] : memref<16x512xi32, #tpu.memory_space<hbm>> -> memref<1x512xi32, #tpu.memory_space<hbm>>
    %dma_start3A_5 = tpu.memref_squeeze %dma_start3A_4 : memref<1x512xi32, #tpu.memory_space<hbm>> -> memref<512xi32, #tpu.memory_space<hbm>>
    tpu.enqueue_dma source(%dma_start3A_5 : memref<512xi32, #tpu.memory_space<hbm>>) target(%arg6 : memref<512xi32, #tpu.memory_space<vmem>>) target_semaphore(%arg13 : memref<!tpu.dma_semaphore, #tpu.memory_space<semaphore_mem>>)
    %broadcast_in_dim3A_6 = arith.constant 0 : i32
    %broadcast_in_dim3A_7 = vector.broadcast %broadcast_in_dim3A_6 : i32 to vector<16xi32>
    %scan3A = arith.constant 0 : i32
    %scan3A_8 = arith.constant 0 : i32
    %scan3A_9 = arith.constant 128 : i32
    %scan3A_10 = arith.addi %scan3A_8, %scan3A_9 : i32
    %scan3A_11 = arith.constant 1 : i32
    %scan3A_12 = scf.for %scan3A_104 = %scan3A_8 to %scan3A_10 step %scan3A_11 iter_args(%scan3A_105 = %scan3A) -> (i32)  : i32 {
      %mul3A_106 = arith.constant 16 : i32
      %mul3A_107 = arith.muli %scan3A_104, %mul3A_106 : i32
      %swap3A = arith.index_cast %mul3A_107 : i32 to index
      %swap3A_108 = tpu.vector_load %arg7[%swap3A] {strides = array<i32>} : memref<2048xi32, #tpu.memory_space<vmem>>, vector<16xi32>,
      tpu.vector_store %arg7[%swap3A], %broadcast_in_dim3A_7 {strides = array<i32>} : memref<2048xi32, #tpu.memory_space<vmem>>, vector<16xi32>,
      %scan3A_109 = arith.constant 0 : i32
      scf.yield %scan3A_109 : i32
    }
    %scan3A_13 = arith.constant 128 : i32
    %dma_wait3A = arith.constant 0 : i32
    %dma_wait3A_14 = tpu.memref_slice %arg3[%arg1, %dma_wait3A] : memref<16x512xi32, #tpu.memory_space<hbm>> -> memref<1x512xi32, #tpu.memory_space<hbm>>
    %dma_wait3A_15 = tpu.memref_squeeze %dma_wait3A_14 : memref<1x512xi32, #tpu.memory_space<hbm>> -> memref<512xi32, #tpu.memory_space<hbm>>
    %dma_wait3A_16 = arith.constant 0 : i32
    %dma_wait3A_17 = tpu.memref_slice %arg3[%arg1, %dma_wait3A_16] : memref<16x512xi32, #tpu.memory_space<hbm>> -> memref<1x512xi32, #tpu.memory_space<hbm>>
    %dma_wait3A_18 = tpu.memref_squeeze %dma_wait3A_17 : memref<1x512xi32, #tpu.memory_space<hbm>> -> memref<512xi32, #tpu.memory_space<hbm>>
    tpu.wait_dma2 semaphore(%arg13 : memref<!tpu.dma_semaphore, #tpu.memory_space<semaphore_mem>>) src(%dma_wait3A_18 : memref<512xi32, #tpu.memory_space<hbm>>) dst(%arg6 : memref<512xi32, #tpu.memory_space<vmem>>)
    %broadcast_in_dim3A_19 = arith.constant 0 : i32
    %broadcast_in_dim3A_20 = vector.broadcast %broadcast_in_dim3A_19 : i32 to vector<16xi32>
    %scan3A_21 = arith.constant 0 : i32
    %scan3A_22 = arith.constant 32 : i32
    %scan3A_23 = arith.addi %scan3A_21, %scan3A_22 : i32
    %scan3A_24 = arith.constant 1 : i32
    %scan3A_25 = scf.for %scan3A_104 = %scan3A_21 to %scan3A_23 step %scan3A_24 iter_args(%scan3A_105 = %broadcast_in_dim3A_20) -> (vector<16xi32>)  : i32 {
      %mul3A_106 = arith.constant 16 : i32
      %mul3A_107 = arith.muli %scan3A_104, %mul3A_106 : i32
      %get3A = arith.index_cast %mul3A_107 : i32 to index
      %get3A_108 = tpu.vector_load %arg6[%get3A] {strides = array<i32>} : memref<512xi32, #tpu.memory_space<vmem>>, vector<16xi32>,
      %broadcast_in_dim3A_109 = arith.constant true
      %broadcast_in_dim3A_110 = vector.broadcast %broadcast_in_dim3A_109 : i1 to vector<16xi1>
      %masked_cumsum3A = tpu.scan <sum>, %get3A_108 masked %broadcast_in_dim3A_110 : vector<16xi32>, vector<16xi1> -> vector<16xi32>
      %add3A_111 = arith.addi %masked_cumsum3A, %scan3A_105 : vector<16xi32>
      %sub3A = arith.subi %add3A_111, %get3A_108 : vector<16xi32>
      %iota3A = tpu.iota {dimensions = array<i32: 0>} : vector<16xi32>
      %mul3A_112 = arith.constant 16 : i32
      %mul3A_113 = arith.muli %scan3A_104, %mul3A_112 : i32
      %add3A_114 = vector.broadcast %mul3A_113 : i32 to vector<16xi32>
      %add3A_115 = arith.addi %iota3A, %add3A_114 : vector<16xi32>
      %gt3A = arith.constant 0 : i32
      %gt3A_116 = vector.broadcast %gt3A : i32 to vector<16xi32>
      %gt3A_117 = arith.cmpi sgt, %get3A_108, %gt3A_116 : vector<16xi32>
      %lt3A = arith.constant 2048 : i32
      %lt3A_118 = vector.broadcast %lt3A : i32 to vector<16xi32>
      %lt3A_119 = arith.cmpi slt, %sub3A, %lt3A_118 : vector<16xi32>
      %and3A_120 = arith.andi %gt3A_117, %lt3A_119 : vector<16xi1>
      tpu.vector_store_idx %arg7[%sub3A], %add3A_115 masked %and3A_120 : memref<2048xi32, #tpu.memory_space<vmem>>[vector<16xi32>], vector<16xi32>, vector<16xi1>
      %lt3A_121 = arith.constant 0 : i32
      %lt3A_122 = vector.broadcast %lt3A_121 : i32 to vector<16xi32>
      %lt3A_123 = arith.cmpi slt, %broadcast_in_dim3A_0, %lt3A_122 : vector<16xi32>
      %add3A_124 = arith.constant 16 : i32
      %add3A_125 = vector.broadcast %add3A_124 : i32 to vector<16xi32>
      %add3A_126 = arith.addi %broadcast_in_dim3A_0, %add3A_125 : vector<16xi32>
      %select_n3A = arith.select %lt3A_123, %add3A_126, %broadcast_in_dim3A_0 : vector<16xi1>, vector<16xi32>
      %reshape3A = vector.shape_cast %select_n3A : vector<16xi32> to vector<16x1xi32>
      %gather3A = vector.shape_cast %reshape3A : vector<16x1xi32> to vector<16xi32>
      %gather3A_127 = tpu.dynamic_gather %masked_cumsum3A[%gather3A] in [0] : vector<16xi32>, vector<16xi32> -> vector<16xi32>
      %add3A_128 = arith.addi %scan3A_105, %gather3A_127 : vector<16xi32>
      scf.yield %add3A_128 : vector<16xi32>
    }
    %scan3A_26 = arith.constant 32 : i32
    %reduce_max3A = arith.constant true
    %reduce_max3A_27 = vector.broadcast %reduce_max3A : i1 to vector<16xi1>
    %reduce_max3A_28 = arith.constant -2147483648 : i32
    %reduce_max3A_29 = vector.broadcast %reduce_max3A_28 : i32 to vector<16xi32>
    %reduce_max3A_30 = arith.xori %scan3A_25, %reduce_max3A_29 : vector<16xi32>
    %reduce_max3A_31 = tpu.scan <max>, %reduce_max3A_30 masked %reduce_max3A_27 : vector<16xi32>, vector<16xi1> -> vector<16xi32>
    %reduce_max3A_32 = arith.xori %reduce_max3A_31, %reduce_max3A_29 : vector<16xi32>
    %reduce_max3A_33 = vector.extract %reduce_max3A_32[15] : i32 from vector<16xi32>
    %mul3A = arith.constant 512 : i32
    %mul3A_34 = arith.muli %arg1, %mul3A : i32
    %broadcast_in_dim3A_35 = arith.constant 0 : i32
    %broadcast_in_dim3A_36 = vector.broadcast %broadcast_in_dim3A_35 : i32 to vector<16xi32>
    %scan3A_37 = arith.constant 0 : i32
    %scan3A_38 = arith.constant 32 : i32
    %scan3A_39 = arith.addi %scan3A_37, %scan3A_38 : i32
    %scan3A_40 = arith.constant 1 : i32
    %scan3A_41 = scf.for %scan3A_104 = %scan3A_37 to %scan3A_39 step %scan3A_40 iter_args(%scan3A_105 = %broadcast_in_dim3A_36) -> (vector<16xi32>)  : i32 {
      %mul3A_106 = arith.constant 64 : i32
      %mul3A_107 = arith.muli %scan3A_104, %mul3A_106 : i32
      %add3A_108 = arith.constant 0 : i32
      %add3A_109 = arith.addi %mul3A_107, %add3A_108 : i32
      %get3A = arith.index_cast %add3A_109 : i32 to index
      %get3A_110 = tpu.vector_load %arg7[%get3A] {strides = array<i32>} : memref<2048xi32, #tpu.memory_space<vmem>>, vector<16xi32>,
      %broadcast_in_dim3A_111 = arith.constant true
      %broadcast_in_dim3A_112 = vector.broadcast %broadcast_in_dim3A_111 : i1 to vector<16xi1>
      %masked_cummax3A = arith.constant -2147483648 : i32
      %masked_cummax3A_113 = vector.broadcast %masked_cummax3A : i32 to vector<16xi32>
      %masked_cummax3A_114 = arith.xori %get3A_110, %masked_cummax3A_113 : vector<16xi32>
      %masked_cummax3A_115 = tpu.scan <max>, %masked_cummax3A_114 masked %broadcast_in_dim3A_112 : vector<16xi32>, vector<16xi1> -> vector<16xi32>
      %masked_cummax3A_116 = arith.xori %masked_cummax3A_115, %masked_cummax3A_113 : vector<16xi32>
      %lt3A = arith.constant 0 : i32
      %lt3A_117 = vector.broadcast %lt3A : i32 to vector<16xi32>
      %lt3A_118 = arith.cmpi slt, %broadcast_in_dim3A_0, %lt3A_117 : vector<16xi32>
      %add3A_119 = arith.constant 16 : i32
      %add3A_120 = vector.broadcast %add3A_119 : i32 to vector<16xi32>
      %add3A_121 = arith.addi %broadcast_in_dim3A_0, %add3A_120 : vector<16xi32>
      %select_n3A = arith.select %lt3A_118, %add3A_121, %broadcast_in_dim3A_0 : vector<16xi1>, vector<16xi32>
      %reshape3A = vector.shape_cast %select_n3A : vector<16xi32> to vector<16x1xi32>
      %gather3A = vector.shape_cast %reshape3A : vector<16x1xi32> to vector<16xi32>
      %gather3A_122 = tpu.dynamic_gather %masked_cummax3A_116[%gather3A] in [0] : vector<16xi32>, vector<16xi32> -> vector<16xi32>
      %iota3A = tpu.iota {dimensions = array<i32: 0>} : vector<16xi32>
      %add3A_123 = vector.broadcast %add3A_109 : i32 to vector<16xi32>
      %add3A_124 = arith.addi %iota3A, %add3A_123 : vector<16xi32>
      %lt3A_125 = arith.cmpi slt, %add3A_124, %scan3A_25 : vector<16xi32>
      %max3A_126 = arith.maxsi %masked_cummax3A_116, %scan3A_105 : vector<16xi32>
      %and3A_127 = arith.constant 511 : i32
      %and3A_128 = vector.broadcast %and3A_127 : i32 to vector<16xi32>
      %and3A_129 = arith.andi %add3A_124, %and3A_128 : vector<16xi32>
      %select_n3A_130 = arith.select %lt3A_125, %max3A_126, %and3A_129 : vector<16xi1>, vector<16xi32>
      %add3A_131 = vector.broadcast %mul3A_34 : i32 to vector<16xi32>
      %add3A_132 = arith.addi %select_n3A_130, %add3A_131 : vector<16xi32>
      %swap3A = arith.index_cast %add3A_109 : i32 to index
      %swap3A_133 = tpu.vector_load %arg8[%swap3A] {strides = array<i32>} : memref<2048xi32, #tpu.memory_space<vmem>>, vector<16xi32>,
      tpu.vector_store %arg8[%swap3A], %add3A_132 {strides = array<i32>} : memref<2048xi32, #tpu.memory_space<vmem>>, vector<16xi32>,
      %max3A_134 = arith.maxsi %scan3A_105, %gather3A_122 : vector<16xi32>
      %mul3A_135 = arith.constant 64 : i32
      %mul3A_136 = arith.muli %scan3A_104, %mul3A_135 : i32
      %add3A_137 = arith.constant 16 : i32
      %add3A_138 = arith.addi %mul3A_136, %add3A_137 : i32
      %get3A_139 = arith.index_cast %add3A_138 : i32 to index
      %get3A_140 = tpu.vector_load %arg7[%get3A_139] {strides = array<i32>} : memref<2048xi32, #tpu.memory_space<vmem>>, vector<16xi32>,
      %broadcast_in_dim3A_141 = arith.constant true
      %broadcast_in_dim3A_142 = vector.broadcast %broadcast_in_dim3A_141 : i1 to vector<16xi1>
      %masked_cummax3A_143 = arith.constant -2147483648 : i32
      %masked_cummax3A_144 = vector.broadcast %masked_cummax3A_143 : i32 to vector<16xi32>
      %masked_cummax3A_145 = arith.xori %get3A_140, %masked_cummax3A_144 : vector<16xi32>
      %masked_cummax3A_146 = tpu.scan <max>, %masked_cummax3A_145 masked %broadcast_in_dim3A_142 : vector<16xi32>, vector<16xi1> -> vector<16xi32>
      %masked_cummax3A_147 = arith.xori %masked_cummax3A_146, %masked_cummax3A_144 : vector<16xi32>
      %lt3A_148 = arith.constant 0 : i32
      %lt3A_149 = vector.broadcast %lt3A_148 : i32 to vector<16xi32>
      %lt3A_150 = arith.cmpi slt, %broadcast_in_dim3A_0, %lt3A_149 : vector<16xi32>
      %add3A_151 = arith.constant 16 : i32
      %add3A_152 = vector.broadcast %add3A_151 : i32 to vector<16xi32>
      %add3A_153 = arith.addi %broadcast_in_dim3A_0, %add3A_152 : vector<16xi32>
      %select_n3A_154 = arith.select %lt3A_150, %add3A_153, %broadcast_in_dim3A_0 : vector<16xi1>, vector<16xi32>
      %reshape3A_155 = vector.shape_cast %select_n3A_154 : vector<16xi32> to vector<16x1xi32>
      %gather3A_156 = vector.shape_cast %reshape3A_155 : vector<16x1xi32> to vector<16xi32>
      %gather3A_157 = tpu.dynamic_gather %masked_cummax3A_147[%gather3A_156] in [0] : vector<16xi32>, vector<16xi32> -> vector<16xi32>
      %iota3A_158 = tpu.iota {dimensions = array<i32: 0>} : vector<16xi32>
      %add3A_159 = vector.broadcast %add3A_138 : i32 to vector<16xi32>
      %add3A_160 = arith.addi %iota3A_158, %add3A_159 : vector<16xi32>
      %lt3A_161 = arith.cmpi slt, %add3A_160, %scan3A_25 : vector<16xi32>
      %max3A_162 = arith.maxsi %masked_cummax3A_147, %max3A_134 : vector<16xi32>
      %and3A_163 = arith.constant 511 : i32
      %and3A_164 = vector.broadcast %and3A_163 : i32 to vector<16xi32>
      %and3A_165 = arith.andi %add3A_160, %and3A_164 : vector<16xi32>
      %select_n3A_166 = arith.select %lt3A_161, %max3A_162, %and3A_165 : vector<16xi1>, vector<16xi32>
      %add3A_167 = vector.broadcast %mul3A_34 : i32 to vector<16xi32>
      %add3A_168 = arith.addi %select_n3A_166, %add3A_167 : vector<16xi32>
      %swap3A_169 = arith.index_cast %add3A_138 : i32 to index
      %swap3A_170 = tpu.vector_load %arg8[%swap3A_169] {strides = array<i32>} : memref<2048xi32, #tpu.memory_space<vmem>>, vector<16xi32>,
      tpu.vector_store %arg8[%swap3A_169], %add3A_168 {strides = array<i32>} : memref<2048xi32, #tpu.memory_space<vmem>>, vector<16xi32>,
      %max3A_171 = arith.maxsi %max3A_134, %gather3A_157 : vector<16xi32>
      %mul3A_172 = arith.constant 64 : i32
      %mul3A_173 = arith.muli %scan3A_104, %mul3A_172 : i32
      %add3A_174 = arith.constant 32 : i32
      %add3A_175 = arith.addi %mul3A_173, %add3A_174 : i32
      %get3A_176 = arith.index_cast %add3A_175 : i32 to index
      %get3A_177 = tpu.vector_load %arg7[%get3A_176] {strides = array<i32>} : memref<2048xi32, #tpu.memory_space<vmem>>, vector<16xi32>,
      %broadcast_in_dim3A_178 = arith.constant true
      %broadcast_in_dim3A_179 = vector.broadcast %broadcast_in_dim3A_178 : i1 to vector<16xi1>
      %masked_cummax3A_180 = arith.constant -2147483648 : i32
      %masked_cummax3A_181 = vector.broadcast %masked_cummax3A_180 : i32 to vector<16xi32>
      %masked_cummax3A_182 = arith.xori %get3A_177, %masked_cummax3A_181 : vector<16xi32>
      %masked_cummax3A_183 = tpu.scan <max>, %masked_cummax3A_182 masked %broadcast_in_dim3A_179 : vector<16xi32>, vector<16xi1> -> vector<16xi32>
      %masked_cummax3A_184 = arith.xori %masked_cummax3A_183, %masked_cummax3A_181 : vector<16xi32>
      %lt3A_185 = arith.constant 0 : i32
      %lt3A_186 = vector.broadcast %lt3A_185 : i32 to vector<16xi32>
      %lt3A_187 = arith.cmpi slt, %broadcast_in_dim3A_0, %lt3A_186 : vector<16xi32>
      %add3A_188 = arith.constant 16 : i32
      %add3A_189 = vector.broadcast %add3A_188 : i32 to vector<16xi32>
      %add3A_190 = arith.addi %broadcast_in_dim3A_0, %add3A_189 : vector<16xi32>
      %select_n3A_191 = arith.select %lt3A_187, %add3A_190, %broadcast_in_dim3A_0 : vector<16xi1>, vector<16xi32>
      %reshape3A_192 = vector.shape_cast %select_n3A_191 : vector<16xi32> to vector<16x1xi32>
      %gather3A_193 = vector.shape_cast %reshape3A_192 : vector<16x1xi32> to vector<16xi32>
      %gather3A_194 = tpu.dynamic_gather %masked_cummax3A_184[%gather3A_193] in [0] : vector<16xi32>, vector<16xi32> -> vector<16xi32>
      %iota3A_195 = tpu.iota {dimensions = array<i32: 0>} : vector<16xi32>
      %add3A_196 = vector.broadcast %add3A_175 : i32 to vector<16xi32>
      %add3A_197 = arith.addi %iota3A_195, %add3A_196 : vector<16xi32>
      %lt3A_198 = arith.cmpi slt, %add3A_197, %scan3A_25 : vector<16xi32>
      %max3A_199 = arith.maxsi %masked_cummax3A_184, %max3A_171 : vector<16xi32>
      %and3A_200 = arith.constant 511 : i32
      %and3A_201 = vector.broadcast %and3A_200 : i32 to vector<16xi32>
      %and3A_202 = arith.andi %add3A_197, %and3A_201 : vector<16xi32>
      %select_n3A_203 = arith.select %lt3A_198, %max3A_199, %and3A_202 : vector<16xi1>, vector<16xi32>
      %add3A_204 = vector.broadcast %mul3A_34 : i32 to vector<16xi32>
      %add3A_205 = arith.addi %select_n3A_203, %add3A_204 : vector<16xi32>
      %swap3A_206 = arith.index_cast %add3A_175 : i32 to index
      %swap3A_207 = tpu.vector_load %arg8[%swap3A_206] {strides = array<i32>} : memref<2048xi32, #tpu.memory_space<vmem>>, vector<16xi32>,
      tpu.vector_store %arg8[%swap3A_206], %add3A_205 {strides = array<i32>} : memref<2048xi32, #tpu.memory_space<vmem>>, vector<16xi32>,
      %max3A_208 = arith.maxsi %max3A_171, %gather3A_194 : vector<16xi32>
      %mul3A_209 = arith.constant 64 : i32
      %mul3A_210 = arith.muli %scan3A_104, %mul3A_209 : i32
      %add3A_211 = arith.constant 48 : i32
      %add3A_212 = arith.addi %mul3A_210, %add3A_211 : i32
      %get3A_213 = arith.index_cast %add3A_212 : i32 to index
      %get3A_214 = tpu.vector_load %arg7[%get3A_213] {strides = array<i32>} : memref<2048xi32, #tpu.memory_space<vmem>>, vector<16xi32>,
      %broadcast_in_dim3A_215 = arith.constant true
      %broadcast_in_dim3A_216 = vector.broadcast %broadcast_in_dim3A_215 : i1 to vector<16xi1>
      %masked_cummax3A_217 = arith.constant -2147483648 : i32
      %masked_cummax3A_218 = vector.broadcast %masked_cummax3A_217 : i32 to vector<16xi32>
      %masked_cummax3A_219 = arith.xori %get3A_214, %masked_cummax3A_218 : vector<16xi32>
      %masked_cummax3A_220 = tpu.scan <max>, %masked_cummax3A_219 masked %broadcast_in_dim3A_216 : vector<16xi32>, vector<16xi1> -> vector<16xi32>
      %masked_cummax3A_221 = arith.xori %masked_cummax3A_220, %masked_cummax3A_218 : vector<16xi32>
      %lt3A_222 = arith.constant 0 : i32
      %lt3A_223 = vector.broadcast %lt3A_222 : i32 to vector<16xi32>
      %lt3A_224 = arith.cmpi slt, %broadcast_in_dim3A_0, %lt3A_223 : vector<16xi32>
      %add3A_225 = arith.constant 16 : i32
      %add3A_226 = vector.broadcast %add3A_225 : i32 to vector<16xi32>
      %add3A_227 = arith.addi %broadcast_in_dim3A_0, %add3A_226 : vector<16xi32>
      %select_n3A_228 = arith.select %lt3A_224, %add3A_227, %broadcast_in_dim3A_0 : vector<16xi1>, vector<16xi32>
      %reshape3A_229 = vector.shape_cast %select_n3A_228 : vector<16xi32> to vector<16x1xi32>
      %gather3A_230 = vector.shape_cast %reshape3A_229 : vector<16x1xi32> to vector<16xi32>
      %gather3A_231 = tpu.dynamic_gather %masked_cummax3A_221[%gather3A_230] in [0] : vector<16xi32>, vector<16xi32> -> vector<16xi32>
      %iota3A_232 = tpu.iota {dimensions = array<i32: 0>} : vector<16xi32>
      %add3A_233 = vector.broadcast %add3A_212 : i32 to vector<16xi32>
      %add3A_234 = arith.addi %iota3A_232, %add3A_233 : vector<16xi32>
      %lt3A_235 = arith.cmpi slt, %add3A_234, %scan3A_25 : vector<16xi32>
      %max3A_236 = arith.maxsi %masked_cummax3A_221, %max3A_208 : vector<16xi32>
      %and3A_237 = arith.constant 511 : i32
      %and3A_238 = vector.broadcast %and3A_237 : i32 to vector<16xi32>
      %and3A_239 = arith.andi %add3A_234, %and3A_238 : vector<16xi32>
      %select_n3A_240 = arith.select %lt3A_235, %max3A_236, %and3A_239 : vector<16xi1>, vector<16xi32>
      %add3A_241 = vector.broadcast %mul3A_34 : i32 to vector<16xi32>
      %add3A_242 = arith.addi %select_n3A_240, %add3A_241 : vector<16xi32>
      %swap3A_243 = arith.index_cast %add3A_212 : i32 to index
      %swap3A_244 = tpu.vector_load %arg8[%swap3A_243] {strides = array<i32>} : memref<2048xi32, #tpu.memory_space<vmem>>, vector<16xi32>,
      tpu.vector_store %arg8[%swap3A_243], %add3A_242 {strides = array<i32>} : memref<2048xi32, #tpu.memory_space<vmem>>, vector<16xi32>,
      %max3A_245 = arith.maxsi %max3A_208, %gather3A_231 : vector<16xi32>
      scf.yield %max3A_245 : vector<16xi32>
    }
    %scan3A_42 = arith.constant 32 : i32
    %jit3A = arith.constant 0 : i32
    %jit3A_43 = arith.constant 2048 : i32
    %max3A = arith.maxsi %jit3A, %reduce_max3A_33 : i32
    %min3A = arith.minsi %jit3A_43, %max3A : i32
    %mul3A_44 = arith.constant 2048 : i32
    %mul3A_45 = arith.muli %arg1, %mul3A_44 : i32
    %and3A = arith.constant 1 : i32
    %and3A_46 = arith.andi %arg1, %and3A : i32
    %xor3A = arith.xori %arg0, %and3A_46 : i32
    %scan3A_47 = arith.constant 0 : i32
    %scan3A_48 = arith.constant 1 : i32
    %scan3A_49 = arith.constant 0 : i32
    %scan3A_50 = arith.constant 0 : i32
    %scan3A_51 = arith.constant 4 : i32
    %scan3A_52 = arith.addi %scan3A_50, %scan3A_51 : i32
    %scan3A_53 = arith.constant 1 : i32
    %scan3A_54 = scf.for %scan3A_104 = %scan3A_50 to %scan3A_52 step %scan3A_53 iter_args(%scan3A_105 = %scan3A_49) -> (i32)  : i32 {
      %mul3A_106 = arith.constant 4 : i32
      %mul3A_107 = arith.muli %mul3A_106, %scan3A_104 : i32
      %add3A_108 = arith.constant 0 : i32
      %add3A_109 = arith.addi %mul3A_107, %add3A_108 : i32
      %add3A_110 = arith.addi %add3A_109, %xor3A : i32
      %mul3A_111 = arith.constant 128 : i32
      %mul3A_112 = arith.muli %add3A_110, %mul3A_111 : i32
      %sub3A = arith.subi %min3A, %mul3A_112 : i32
      %jit3A_113 = arith.constant 0 : i32
      %jit3A_114 = arith.constant 128 : i32
      %max3A_115 = arith.maxsi %jit3A_113, %sub3A : i32
      %min3A_116 = arith.minsi %jit3A_114, %max3A_115 : i32
      %gt3A = arith.constant 0 : i32
      %gt3A_117 = arith.cmpi sgt, %scan3A_104, %gt3A : i32
      %add3A_118 = arith.constant 512 : i32
      %add3A_119 = arith.addi %sub3A, %add3A_118 : i32
      %jit3A_120 = arith.constant 0 : i32
      %jit3A_121 = arith.constant 128 : i32
      %max3A_122 = arith.maxsi %jit3A_120, %add3A_119 : i32
      %min3A_123 = arith.minsi %jit3A_121, %max3A_122 : i32
      %jit3A_124 = arith.constant 128 : i32
      %select_n3A = arith.select %gt3A_117, %min3A_123, %jit3A_124 : i32
      %gt3A_125 = arith.constant 0 : i32
      %gt3A_126 = arith.cmpi sgt, %scan3A_104, %gt3A_125 : i32
      %convert_element_type3A_127 = arith.extui %gt3A_126 : i1 to i32
      %cond3A_128 = arith.constant 0 : i32
      %cond3A_129 = arith.cmpi ne, %convert_element_type3A_127, %cond3A_128 : i32
      scf.if %cond3A_129 {
        %sub3A_223 = arith.constant 4 : i32
        %sub3A_224 = arith.subi %add3A_110, %sub3A_223 : i32
        %mul3A_225 = arith.constant 128 : i32
        %mul3A_226 = arith.muli %sub3A_224, %mul3A_225 : i32
        %add3A_227 = arith.addi %mul3A_45, %mul3A_226 : i32
        %dma_wait3A_228 = arith.constant 0 : i32
        %dma_wait3A_229 = arith.constant 0 : i32
        %dma_wait3A_230 = tpu.memref_slice %arg9[%scan3A_47, %dma_wait3A_228, %dma_wait3A_229] : memref<2x128x256xf32, #tpu.memory_space<vmem>> -> memref<1x128x256xf32, #tpu.memory_space<vmem>>
        %dma_wait3A_231 = tpu.memref_squeeze %dma_wait3A_230 : memref<1x128x256xf32, #tpu.memory_space<vmem>> -> memref<128x256xf32, #tpu.memory_space<vmem>>
        %dma_wait3A_232 = arith.constant 0 : i32
        %dma_wait3A_233 = tpu.memref_slice %arg4[%add3A_227, %dma_wait3A_232] : memref<32768x256xf32, #tpu.memory_space<hbm>> -> memref<128x256xf32, #tpu.memory_space<hbm>>
        %dma_wait3A_234 = arith.constant 0 : i32
        %dma_wait3A_235 = tpu.memref_slice %arg4[%add3A_227, %dma_wait3A_234] : memref<32768x256xf32, #tpu.memory_space<hbm>> -> memref<128x256xf32, #tpu.memory_space<hbm>>
        %dma_wait3A_236 = arith.constant 0 : i32
        %dma_wait3A_237 = arith.constant 0 : i32
        %dma_wait3A_238 = tpu.memref_slice %arg9[%scan3A_47, %dma_wait3A_236, %dma_wait3A_237] : memref<2x128x256xf32, #tpu.memory_space<vmem>> -> memref<1x128x256xf32, #tpu.memory_space<vmem>>
        %dma_wait3A_239 = tpu.memref_squeeze %dma_wait3A_238 : memref<1x128x256xf32, #tpu.memory_space<vmem>> -> memref<128x256xf32, #tpu.memory_space<vmem>>
        tpu.wait_dma2 semaphore(%arg14 : memref<!tpu.dma_semaphore, #tpu.memory_space<semaphore_mem>>) src(%dma_wait3A_239 : memref<128x256xf32, #tpu.memory_space<vmem>>) dst(%dma_wait3A_235 : memref<128x256xf32, #tpu.memory_space<hbm>>)
      } else {
      }
      %gt3A_130 = arith.constant 0 : i32
      %gt3A_131 = arith.cmpi sgt, %sub3A, %gt3A_130 : i32
      %convert_element_type3A_132 = arith.extui %gt3A_131 : i1 to i32
      %cond3A_133 = arith.constant 0 : i32
      %cond3A_134 = arith.cmpi ne, %convert_element_type3A_132, %cond3A_133 : i32
      scf.if %cond3A_134 {
        %mul3A_223 = arith.constant 128 : i32
        %mul3A_224 = arith.muli %add3A_110, %mul3A_223 : i32
        %dma_start3A_225 = arith.constant 0 : i32
        %dma_start3A_226 = arith.constant 0 : i32
        %dma_start3A_227 = tpu.memref_slice %arg9[%scan3A_47, %dma_start3A_225, %dma_start3A_226] : memref<2x128x256xf32, #tpu.memory_space<vmem>> -> memref<1x128x256xf32, #tpu.memory_space<vmem>>
        %dma_start3A_228 = tpu.memref_squeeze %dma_start3A_227 : memref<1x128x256xf32, #tpu.memory_space<vmem>> -> memref<128x256xf32, #tpu.memory_space<vmem>>
        %dma_start3A_229 = tpu.memref_slice %arg8[%mul3A_224] : memref<2048xi32, #tpu.memory_space<vmem>> -> memref<128xi32, #tpu.memory_space<vmem>>
        %dma_start3A_230 = arith.constant 0 : i32
        %dma_start3A_231 = arith.constant 0 : i32
        %dma_start3A_232 = tpu.memref_slice %arg2[%dma_start3A_230, %dma_start3A_231] : memref<8192x256xf32, #tpu.memory_space<hbm>> -> memref<8192x256xf32, #tpu.memory_space<hbm>>
        tpu.enqueue_indirect_dma source(%dma_start3A_232 : memref<8192x256xf32, #tpu.memory_space<hbm>>) target(%dma_start3A_228 : memref<128x256xf32, #tpu.memory_space<vmem>>) offsets(%dma_start3A_229 : memref<128xi32, #tpu.memory_space<vmem>>) semaphore(%arg13 : memref<!tpu.dma_semaphore, #tpu.memory_space<semaphore_mem>>)
        %dma_wait3A_233 = arith.constant 0 : i32
        %dma_wait3A_234 = arith.constant 0 : i32
        %dma_wait3A_235 = tpu.memref_slice %arg9[%scan3A_47, %dma_wait3A_233, %dma_wait3A_234] : memref<2x128x256xf32, #tpu.memory_space<vmem>> -> memref<1x128x256xf32, #tpu.memory_space<vmem>>
        %dma_wait3A_236 = tpu.memref_squeeze %dma_wait3A_235 : memref<1x128x256xf32, #tpu.memory_space<vmem>> -> memref<128x256xf32, #tpu.memory_space<vmem>>
        %dma_wait3A_237 = tpu.memref_slice %arg8[%mul3A_224] : memref<2048xi32, #tpu.memory_space<vmem>> -> memref<128xi32, #tpu.memory_space<vmem>>
        %dma_wait3A_238 = arith.constant 0 : i32
        %dma_wait3A_239 = arith.constant 0 : i32
        %dma_wait3A_240 = tpu.memref_slice %arg2[%dma_wait3A_238, %dma_wait3A_239] : memref<8192x256xf32, #tpu.memory_space<hbm>> -> memref<8192x256xf32, #tpu.memory_space<hbm>>
        tpu.wait_indirect_dma semaphore(%arg13 : memref<!tpu.dma_semaphore, #tpu.memory_space<semaphore_mem>>) src(%dma_wait3A_240 : memref<8192x256xf32, #tpu.memory_space<hbm>>) dst(%dma_wait3A_236 : memref<128x256xf32, #tpu.memory_space<vmem>>)
      } else {
      }
      %broadcast_in_dim3A_135 = arith.constant 0.000000e+00 : f32
      %broadcast_in_dim3A_136 = vector.broadcast %broadcast_in_dim3A_135 : f32 to vector<16xf32>
      %while3A = arith.constant 0 : i32
      %while3A_137 = arith.subi %select_n3A, %min3A_116 : i32
      %while3A_138 = arith.addi %min3A_116, %while3A_137 : i32
      %while3A_139 = arith.constant 1 : i32
      %while3A_140 = arith.divsi %while3A_137, %while3A_139 : i32
      %while3A_141 = arith.muli %while3A_140, %while3A_139 : i32
      %while3A_142 = arith.addi %min3A_116, %while3A_141 : i32
      %while3A_143 = arith.constant 1 : i32
      %while3A_144 = scf.for %while3A_223 = %min3A_116 to %while3A_142 step %while3A_143 iter_args(%while3A_224 = %while3A) -> (i32)  : i32 {
        %swap3A = arith.constant 0 : i32
        %swap3A_225 = arith.constant 0 : i32
        %swap3A_226 = tpu.memref_slice %arg9[%scan3A_47, %swap3A, %swap3A_225] : memref<2x128x256xf32, #tpu.memory_space<vmem>> -> memref<1x128x256xf32, #tpu.memory_space<vmem>>
        %swap3A_227 = tpu.memref_squeeze %swap3A_226 : memref<1x128x256xf32, #tpu.memory_space<vmem>> -> memref<128x256xf32, #tpu.memory_space<vmem>>
        %swap3A_228 = arith.index_cast %while3A_223 : i32 to index
        %swap3A_229 = arith.constant 0 : index
        %swap3A_230 = tpu.vector_load %swap3A_227[%swap3A_228, %swap3A_229] {strides = array<i32>} : memref<128x256xf32, #tpu.memory_space<vmem>>, vector<16xf32>,
        tpu.vector_store %swap3A_227[%swap3A_228, %swap3A_229], %broadcast_in_dim3A_136 {strides = array<i32>} : memref<128x256xf32, #tpu.memory_space<vmem>>, vector<16xf32>,
        %swap3A_231 = arith.constant 0 : i32
        %swap3A_232 = arith.constant 0 : i32
        %swap3A_233 = tpu.memref_slice %arg9[%scan3A_47, %swap3A_231, %swap3A_232] : memref<2x128x256xf32, #tpu.memory_space<vmem>> -> memref<1x128x256xf32, #tpu.memory_space<vmem>>
        %swap3A_234 = tpu.memref_squeeze %swap3A_233 : memref<1x128x256xf32, #tpu.memory_space<vmem>> -> memref<128x256xf32, #tpu.memory_space<vmem>>
        %swap3A_235 = arith.index_cast %while3A_223 : i32 to index
        %swap3A_236 = arith.constant 16 : index
        %swap3A_237 = tpu.vector_load %swap3A_234[%swap3A_235, %swap3A_236] {strides = array<i32>} : memref<128x256xf32, #tpu.memory_space<vmem>>, vector<16xf32>,
        tpu.vector_store %swap3A_234[%swap3A_235, %swap3A_236], %broadcast_in_dim3A_136 {strides = array<i32>} : memref<128x256xf32, #tpu.memory_space<vmem>>, vector<16xf32>,
        %swap3A_238 = arith.constant 0 : i32
        %swap3A_239 = arith.constant 0 : i32
        %swap3A_240 = tpu.memref_slice %arg9[%scan3A_47, %swap3A_238, %swap3A_239] : memref<2x128x256xf32, #tpu.memory_space<vmem>> -> memref<1x128x256xf32, #tpu.memory_space<vmem>>
        %swap3A_241 = tpu.memref_squeeze %swap3A_240 : memref<1x128x256xf32, #tpu.memory_space<vmem>> -> memref<128x256xf32, #tpu.memory_space<vmem>>
        %swap3A_242 = arith.index_cast %while3A_223 : i32 to index
        %swap3A_243 = arith.constant 32 : index
        %swap3A_244 = tpu.vector_load %swap3A_241[%swap3A_242, %swap3A_243] {strides = array<i32>} : memref<128x256xf32, #tpu.memory_space<vmem>>, vector<16xf32>,
        tpu.vector_store %swap3A_241[%swap3A_242, %swap3A_243], %broadcast_in_dim3A_136 {strides = array<i32>} : memref<128x256xf32, #tpu.memory_space<vmem>>, vector<16xf32>,
        %swap3A_245 = arith.constant 0 : i32
        %swap3A_246 = arith.constant 0 : i32
        %swap3A_247 = tpu.memref_slice %arg9[%scan3A_47, %swap3A_245, %swap3A_246] : memref<2x128x256xf32, #tpu.memory_space<vmem>> -> memref<1x128x256xf32, #tpu.memory_space<vmem>>
        %swap3A_248 = tpu.memref_squeeze %swap3A_247 : memref<1x128x256xf32, #tpu.memory_space<vmem>> -> memref<128x256xf32, #tpu.memory_space<vmem>>
        %swap3A_249 = arith.index_cast %while3A_223 : i32 to index
        %swap3A_250 = arith.constant 48 : index
        %swap3A_251 = tpu.vector_load %swap3A_248[%swap3A_249, %swap3A_250] {strides = array<i32>} : memref<128x256xf32, #tpu.memory_space<vmem>>, vector<16xf32>,
        tpu.vector_store %swap3A_248[%swap3A_249, %swap3A_250], %broadcast_in_dim3A_136 {strides = array<i32>} : memref<128x256xf32, #tpu.memory_space<vmem>>, vector<16xf32>,
        %swap3A_252 = arith.constant 0 : i32
        %swap3A_253 = arith.constant 0 : i32
        %swap3A_254 = tpu.memref_slice %arg9[%scan3A_47, %swap3A_252, %swap3A_253] : memref<2x128x256xf32, #tpu.memory_space<vmem>> -> memref<1x128x256xf32, #tpu.memory_space<vmem>>
        %swap3A_255 = tpu.memref_squeeze %swap3A_254 : memref<1x128x256xf32, #tpu.memory_space<vmem>> -> memref<128x256xf32, #tpu.memory_space<vmem>>
        %swap3A_256 = arith.index_cast %while3A_223 : i32 to index
        %swap3A_257 = arith.constant 64 : index
        %swap3A_258 = tpu.vector_load %swap3A_255[%swap3A_256, %swap3A_257] {strides = array<i32>} : memref<128x256xf32, #tpu.memory_space<vmem>>, vector<16xf32>,
        tpu.vector_store %swap3A_255[%swap3A_256, %swap3A_257], %broadcast_in_dim3A_136 {strides = array<i32>} : memref<128x256xf32, #tpu.memory_space<vmem>>, vector<16xf32>,
        %swap3A_259 = arith.constant 0 : i32
        %swap3A_260 = arith.constant 0 : i32
        %swap3A_261 = tpu.memref_slice %arg9[%scan3A_47, %swap3A_259, %swap3A_260] : memref<2x128x256xf32, #tpu.memory_space<vmem>> -> memref<1x128x256xf32, #tpu.memory_space<vmem>>
        %swap3A_262 = tpu.memref_squeeze %swap3A_261 : memref<1x128x256xf32, #tpu.memory_space<vmem>> -> memref<128x256xf32, #tpu.memory_space<vmem>>
        %swap3A_263 = arith.index_cast %while3A_223 : i32 to index
        %swap3A_264 = arith.constant 80 : index
        %swap3A_265 = tpu.vector_load %swap3A_262[%swap3A_263, %swap3A_264] {strides = array<i32>} : memref<128x256xf32, #tpu.memory_space<vmem>>, vector<16xf32>,
        tpu.vector_store %swap3A_262[%swap3A_263, %swap3A_264], %broadcast_in_dim3A_136 {strides = array<i32>} : memref<128x256xf32, #tpu.memory_space<vmem>>, vector<16xf32>,
        %swap3A_266 = arith.constant 0 : i32
        %swap3A_267 = arith.constant 0 : i32
        %swap3A_268 = tpu.memref_slice %arg9[%scan3A_47, %swap3A_266, %swap3A_267] : memref<2x128x256xf32, #tpu.memory_space<vmem>> -> memref<1x128x256xf32, #tpu.memory_space<vmem>>
        %swap3A_269 = tpu.memref_squeeze %swap3A_268 : memref<1x128x256xf32, #tpu.memory_space<vmem>> -> memref<128x256xf32, #tpu.memory_space<vmem>>
        %swap3A_270 = arith.index_cast %while3A_223 : i32 to index
        %swap3A_271 = arith.constant 96 : index
        %swap3A_272 = tpu.vector_load %swap3A_269[%swap3A_270, %swap3A_271] {strides = array<i32>} : memref<128x256xf32, #tpu.memory_space<vmem>>, vector<16xf32>,
        tpu.vector_store %swap3A_269[%swap3A_270, %swap3A_271], %broadcast_in_dim3A_136 {strides = array<i32>} : memref<128x256xf32, #tpu.memory_space<vmem>>, vector<16xf32>,
        %swap3A_273 = arith.constant 0 : i32
        %swap3A_274 = arith.constant 0 : i32
        %swap3A_275 = tpu.memref_slice %arg9[%scan3A_47, %swap3A_273, %swap3A_274] : memref<2x128x256xf32, #tpu.memory_space<vmem>> -> memref<1x128x256xf32, #tpu.memory_space<vmem>>
        %swap3A_276 = tpu.memref_squeeze %swap3A_275 : memref<1x128x256xf32, #tpu.memory_space<vmem>> -> memref<128x256xf32, #tpu.memory_space<vmem>>
        %swap3A_277 = arith.index_cast %while3A_223 : i32 to index
        %swap3A_278 = arith.constant 112 : index
        %swap3A_279 = tpu.vector_load %swap3A_276[%swap3A_277, %swap3A_278] {strides = array<i32>} : memref<128x256xf32, #tpu.memory_space<vmem>>, vector<16xf32>,
        tpu.vector_store %swap3A_276[%swap3A_277, %swap3A_278], %broadcast_in_dim3A_136 {strides = array<i32>} : memref<128x256xf32, #tpu.memory_space<vmem>>, vector<16xf32>,
        %swap3A_280 = arith.constant 0 : i32
        %swap3A_281 = arith.constant 0 : i32
        %swap3A_282 = tpu.memref_slice %arg9[%scan3A_47, %swap3A_280, %swap3A_281] : memref<2x128x256xf32, #tpu.memory_space<vmem>> -> memref<1x128x256xf32, #tpu.memory_space<vmem>>
        %swap3A_283 = tpu.memref_squeeze %swap3A_282 : memref<1x128x256xf32, #tpu.memory_space<vmem>> -> memref<128x256xf32, #tpu.memory_space<vmem>>
        %swap3A_284 = arith.index_cast %while3A_223 : i32 to index
        %swap3A_285 = arith.constant 128 : index
        %swap3A_286 = tpu.vector_load %swap3A_283[%swap3A_284, %swap3A_285] {strides = array<i32>} : memref<128x256xf32, #tpu.memory_space<vmem>>, vector<16xf32>,
        tpu.vector_store %swap3A_283[%swap3A_284, %swap3A_285], %broadcast_in_dim3A_136 {strides = array<i32>} : memref<128x256xf32, #tpu.memory_space<vmem>>, vector<16xf32>,
        %swap3A_287 = arith.constant 0 : i32
        %swap3A_288 = arith.constant 0 : i32
        %swap3A_289 = tpu.memref_slice %arg9[%scan3A_47, %swap3A_287, %swap3A_288] : memref<2x128x256xf32, #tpu.memory_space<vmem>> -> memref<1x128x256xf32, #tpu.memory_space<vmem>>
        %swap3A_290 = tpu.memref_squeeze %swap3A_289 : memref<1x128x256xf32, #tpu.memory_space<vmem>> -> memref<128x256xf32, #tpu.memory_space<vmem>>
        %swap3A_291 = arith.index_cast %while3A_223 : i32 to index
        %swap3A_292 = arith.constant 144 : index
        %swap3A_293 = tpu.vector_load %swap3A_290[%swap3A_291, %swap3A_292] {strides = array<i32>} : memref<128x256xf32, #tpu.memory_space<vmem>>, vector<16xf32>,
        tpu.vector_store %swap3A_290[%swap3A_291, %swap3A_292], %broadcast_in_dim3A_136 {strides = array<i32>} : memref<128x256xf32, #tpu.memory_space<vmem>>, vector<16xf32>,
        %swap3A_294 = arith.constant 0 : i32
        %swap3A_295 = arith.constant 0 : i32
        %swap3A_296 = tpu.memref_slice %arg9[%scan3A_47, %swap3A_294, %swap3A_295] : memref<2x128x256xf32, #tpu.memory_space<vmem>> -> memref<1x128x256xf32, #tpu.memory_space<vmem>>
        %swap3A_297 = tpu.memref_squeeze %swap3A_296 : memref<1x128x256xf32, #tpu.memory_space<vmem>> -> memref<128x256xf32, #tpu.memory_space<vmem>>
        %swap3A_298 = arith.index_cast %while3A_223 : i32 to index
        %swap3A_299 = arith.constant 160 : index
        %swap3A_300 = tpu.vector_load %swap3A_297[%swap3A_298, %swap3A_299] {strides = array<i32>} : memref<128x256xf32, #tpu.memory_space<vmem>>, vector<16xf32>,
        tpu.vector_store %swap3A_297[%swap3A_298, %swap3A_299], %broadcast_in_dim3A_136 {strides = array<i32>} : memref<128x256xf32, #tpu.memory_space<vmem>>, vector<16xf32>,
        %swap3A_301 = arith.constant 0 : i32
        %swap3A_302 = arith.constant 0 : i32
        %swap3A_303 = tpu.memref_slice %arg9[%scan3A_47, %swap3A_301, %swap3A_302] : memref<2x128x256xf32, #tpu.memory_space<vmem>> -> memref<1x128x256xf32, #tpu.memory_space<vmem>>
        %swap3A_304 = tpu.memref_squeeze %swap3A_303 : memref<1x128x256xf32, #tpu.memory_space<vmem>> -> memref<128x256xf32, #tpu.memory_space<vmem>>
        %swap3A_305 = arith.index_cast %while3A_223 : i32 to index
        %swap3A_306 = arith.constant 176 : index
        %swap3A_307 = tpu.vector_load %swap3A_304[%swap3A_305, %swap3A_306] {strides = array<i32>} : memref<128x256xf32, #tpu.memory_space<vmem>>, vector<16xf32>,
        tpu.vector_store %swap3A_304[%swap3A_305, %swap3A_306], %broadcast_in_dim3A_136 {strides = array<i32>} : memref<128x256xf32, #tpu.memory_space<vmem>>, vector<16xf32>,
        %swap3A_308 = arith.constant 0 : i32
        %swap3A_309 = arith.constant 0 : i32
        %swap3A_310 = tpu.memref_slice %arg9[%scan3A_47, %swap3A_308, %swap3A_309] : memref<2x128x256xf32, #tpu.memory_space<vmem>> -> memref<1x128x256xf32, #tpu.memory_space<vmem>>
        %swap3A_311 = tpu.memref_squeeze %swap3A_310 : memref<1x128x256xf32, #tpu.memory_space<vmem>> -> memref<128x256xf32, #tpu.memory_space<vmem>>
        %swap3A_312 = arith.index_cast %while3A_223 : i32 to index
        %swap3A_313 = arith.constant 192 : index
        %swap3A_314 = tpu.vector_load %swap3A_311[%swap3A_312, %swap3A_313] {strides = array<i32>} : memref<128x256xf32, #tpu.memory_space<vmem>>, vector<16xf32>,
        tpu.vector_store %swap3A_311[%swap3A_312, %swap3A_313], %broadcast_in_dim3A_136 {strides = array<i32>} : memref<128x256xf32, #tpu.memory_space<vmem>>, vector<16xf32>,
        %swap3A_315 = arith.constant 0 : i32
        %swap3A_316 = arith.constant 0 : i32
        %swap3A_317 = tpu.memref_slice %arg9[%scan3A_47, %swap3A_315, %swap3A_316] : memref<2x128x256xf32, #tpu.memory_space<vmem>> -> memref<1x128x256xf32, #tpu.memory_space<vmem>>
        %swap3A_318 = tpu.memref_squeeze %swap3A_317 : memref<1x128x256xf32, #tpu.memory_space<vmem>> -> memref<128x256xf32, #tpu.memory_space<vmem>>
        %swap3A_319 = arith.index_cast %while3A_223 : i32 to index
        %swap3A_320 = arith.constant 208 : index
        %swap3A_321 = tpu.vector_load %swap3A_318[%swap3A_319, %swap3A_320] {strides = array<i32>} : memref<128x256xf32, #tpu.memory_space<vmem>>, vector<16xf32>,
        tpu.vector_store %swap3A_318[%swap3A_319, %swap3A_320], %broadcast_in_dim3A_136 {strides = array<i32>} : memref<128x256xf32, #tpu.memory_space<vmem>>, vector<16xf32>,
        %swap3A_322 = arith.constant 0 : i32
        %swap3A_323 = arith.constant 0 : i32
        %swap3A_324 = tpu.memref_slice %arg9[%scan3A_47, %swap3A_322, %swap3A_323] : memref<2x128x256xf32, #tpu.memory_space<vmem>> -> memref<1x128x256xf32, #tpu.memory_space<vmem>>
        %swap3A_325 = tpu.memref_squeeze %swap3A_324 : memref<1x128x256xf32, #tpu.memory_space<vmem>> -> memref<128x256xf32, #tpu.memory_space<vmem>>
        %swap3A_326 = arith.index_cast %while3A_223 : i32 to index
        %swap3A_327 = arith.constant 224 : index
        %swap3A_328 = tpu.vector_load %swap3A_325[%swap3A_326, %swap3A_327] {strides = array<i32>} : memref<128x256xf32, #tpu.memory_space<vmem>>, vector<16xf32>,
        tpu.vector_store %swap3A_325[%swap3A_326, %swap3A_327], %broadcast_in_dim3A_136 {strides = array<i32>} : memref<128x256xf32, #tpu.memory_space<vmem>>, vector<16xf32>,
        %swap3A_329 = arith.constant 0 : i32
        %swap3A_330 = arith.constant 0 : i32
        %swap3A_331 = tpu.memref_slice %arg9[%scan3A_47, %swap3A_329, %swap3A_330] : memref<2x128x256xf32, #tpu.memory_space<vmem>> -> memref<1x128x256xf32, #tpu.memory_space<vmem>>
        %swap3A_332 = tpu.memref_squeeze %swap3A_331 : memref<1x128x256xf32, #tpu.memory_space<vmem>> -> memref<128x256xf32, #tpu.memory_space<vmem>>
        %swap3A_333 = arith.index_cast %while3A_223 : i32 to index
        %swap3A_334 = arith.constant 240 : index
        %swap3A_335 = tpu.vector_load %swap3A_332[%swap3A_333, %swap3A_334] {strides = array<i32>} : memref<128x256xf32, #tpu.memory_space<vmem>>, vector<16xf32>,
        tpu.vector_store %swap3A_332[%swap3A_333, %swap3A_334], %broadcast_in_dim3A_136 {strides = array<i32>} : memref<128x256xf32, #tpu.memory_space<vmem>>, vector<16xf32>,
        %while3A_336 = arith.constant 0 : i32
        scf.yield %while3A_336 : i32
      }
      %while3A_145 = arith.constant 1 : i32
      %while3A_146 = scf.for %while3A_223 = %while3A_142 to %while3A_138 step %while3A_145 iter_args(%while3A_224 = %while3A_144) -> (i32)  : i32 {
        %swap3A = arith.constant 0 : i32
        %swap3A_225 = arith.constant 0 : i32
        %swap3A_226 = tpu.memref_slice %arg9[%scan3A_47, %swap3A, %swap3A_225] : memref<2x128x256xf32, #tpu.memory_space<vmem>> -> memref<1x128x256xf32, #tpu.memory_space<vmem>>
        %swap3A_227 = tpu.memref_squeeze %swap3A_226 : memref<1x128x256xf32, #tpu.memory_space<vmem>> -> memref<128x256xf32, #tpu.memory_space<vmem>>
        %swap3A_228 = arith.index_cast %while3A_223 : i32 to index
        %swap3A_229 = arith.constant 0 : index
        %swap3A_230 = tpu.vector_load %swap3A_227[%swap3A_228, %swap3A_229] {strides = array<i32>} : memref<128x256xf32, #tpu.memory_space<vmem>>, vector<16xf32>,
        tpu.vector_store %swap3A_227[%swap3A_228, %swap3A_229], %broadcast_in_dim3A_136 {strides = array<i32>} : memref<128x256xf32, #tpu.memory_space<vmem>>, vector<16xf32>,
        %swap3A_231 = arith.constant 0 : i32
        %swap3A_232 = arith.constant 0 : i32
        %swap3A_233 = tpu.memref_slice %arg9[%scan3A_47, %swap3A_231, %swap3A_232] : memref<2x128x256xf32, #tpu.memory_space<vmem>> -> memref<1x128x256xf32, #tpu.memory_space<vmem>>
        %swap3A_234 = tpu.memref_squeeze %swap3A_233 : memref<1x128x256xf32, #tpu.memory_space<vmem>> -> memref<128x256xf32, #tpu.memory_space<vmem>>
        %swap3A_235 = arith.index_cast %while3A_223 : i32 to index
        %swap3A_236 = arith.constant 16 : index
        %swap3A_237 = tpu.vector_load %swap3A_234[%swap3A_235, %swap3A_236] {strides = array<i32>} : memref<128x256xf32, #tpu.memory_space<vmem>>, vector<16xf32>,
        tpu.vector_store %swap3A_234[%swap3A_235, %swap3A_236], %broadcast_in_dim3A_136 {strides = array<i32>} : memref<128x256xf32, #tpu.memory_space<vmem>>, vector<16xf32>,
        %swap3A_238 = arith.constant 0 : i32
        %swap3A_239 = arith.constant 0 : i32
        %swap3A_240 = tpu.memref_slice %arg9[%scan3A_47, %swap3A_238, %swap3A_239] : memref<2x128x256xf32, #tpu.memory_space<vmem>> -> memref<1x128x256xf32, #tpu.memory_space<vmem>>
        %swap3A_241 = tpu.memref_squeeze %swap3A_240 : memref<1x128x256xf32, #tpu.memory_space<vmem>> -> memref<128x256xf32, #tpu.memory_space<vmem>>
        %swap3A_242 = arith.index_cast %while3A_223 : i32 to index
        %swap3A_243 = arith.constant 32 : index
        %swap3A_244 = tpu.vector_load %swap3A_241[%swap3A_242, %swap3A_243] {strides = array<i32>} : memref<128x256xf32, #tpu.memory_space<vmem>>, vector<16xf32>,
        tpu.vector_store %swap3A_241[%swap3A_242, %swap3A_243], %broadcast_in_dim3A_136 {strides = array<i32>} : memref<128x256xf32, #tpu.memory_space<vmem>>, vector<16xf32>,
        %swap3A_245 = arith.constant 0 : i32
        %swap3A_246 = arith.constant 0 : i32
        %swap3A_247 = tpu.memref_slice %arg9[%scan3A_47, %swap3A_245, %swap3A_246] : memref<2x128x256xf32, #tpu.memory_space<vmem>> -> memref<1x128x256xf32, #tpu.memory_space<vmem>>
        %swap3A_248 = tpu.memref_squeeze %swap3A_247 : memref<1x128x256xf32, #tpu.memory_space<vmem>> -> memref<128x256xf32, #tpu.memory_space<vmem>>
        %swap3A_249 = arith.index_cast %while3A_223 : i32 to index
        %swap3A_250 = arith.constant 48 : index
        %swap3A_251 = tpu.vector_load %swap3A_248[%swap3A_249, %swap3A_250] {strides = array<i32>} : memref<128x256xf32, #tpu.memory_space<vmem>>, vector<16xf32>,
        tpu.vector_store %swap3A_248[%swap3A_249, %swap3A_250], %broadcast_in_dim3A_136 {strides = array<i32>} : memref<128x256xf32, #tpu.memory_space<vmem>>, vector<16xf32>,
        %swap3A_252 = arith.constant 0 : i32
        %swap3A_253 = arith.constant 0 : i32
        %swap3A_254 = tpu.memref_slice %arg9[%scan3A_47, %swap3A_252, %swap3A_253] : memref<2x128x256xf32, #tpu.memory_space<vmem>> -> memref<1x128x256xf32, #tpu.memory_space<vmem>>
        %swap3A_255 = tpu.memref_squeeze %swap3A_254 : memref<1x128x256xf32, #tpu.memory_space<vmem>> -> memref<128x256xf32, #tpu.memory_space<vmem>>
        %swap3A_256 = arith.index_cast %while3A_223 : i32 to index
        %swap3A_257 = arith.constant 64 : index
        %swap3A_258 = tpu.vector_load %swap3A_255[%swap3A_256, %swap3A_257] {strides = array<i32>} : memref<128x256xf32, #tpu.memory_space<vmem>>, vector<16xf32>,
        tpu.vector_store %swap3A_255[%swap3A_256, %swap3A_257], %broadcast_in_dim3A_136 {strides = array<i32>} : memref<128x256xf32, #tpu.memory_space<vmem>>, vector<16xf32>,
        %swap3A_259 = arith.constant 0 : i32
        %swap3A_260 = arith.constant 0 : i32
        %swap3A_261 = tpu.memref_slice %arg9[%scan3A_47, %swap3A_259, %swap3A_260] : memref<2x128x256xf32, #tpu.memory_space<vmem>> -> memref<1x128x256xf32, #tpu.memory_space<vmem>>
        %swap3A_262 = tpu.memref_squeeze %swap3A_261 : memref<1x128x256xf32, #tpu.memory_space<vmem>> -> memref<128x256xf32, #tpu.memory_space<vmem>>
        %swap3A_263 = arith.index_cast %while3A_223 : i32 to index
        %swap3A_264 = arith.constant 80 : index
        %swap3A_265 = tpu.vector_load %swap3A_262[%swap3A_263, %swap3A_264] {strides = array<i32>} : memref<128x256xf32, #tpu.memory_space<vmem>>, vector<16xf32>,
        tpu.vector_store %swap3A_262[%swap3A_263, %swap3A_264], %broadcast_in_dim3A_136 {strides = array<i32>} : memref<128x256xf32, #tpu.memory_space<vmem>>, vector<16xf32>,
        %swap3A_266 = arith.constant 0 : i32
        %swap3A_267 = arith.constant 0 : i32
        %swap3A_268 = tpu.memref_slice %arg9[%scan3A_47, %swap3A_266, %swap3A_267] : memref<2x128x256xf32, #tpu.memory_space<vmem>> -> memref<1x128x256xf32, #tpu.memory_space<vmem>>
        %swap3A_269 = tpu.memref_squeeze %swap3A_268 : memref<1x128x256xf32, #tpu.memory_space<vmem>> -> memref<128x256xf32, #tpu.memory_space<vmem>>
        %swap3A_270 = arith.index_cast %while3A_223 : i32 to index
        %swap3A_271 = arith.constant 96 : index
        %swap3A_272 = tpu.vector_load %swap3A_269[%swap3A_270, %swap3A_271] {strides = array<i32>} : memref<128x256xf32, #tpu.memory_space<vmem>>, vector<16xf32>,
        tpu.vector_store %swap3A_269[%swap3A_270, %swap3A_271], %broadcast_in_dim3A_136 {strides = array<i32>} : memref<128x256xf32, #tpu.memory_space<vmem>>, vector<16xf32>,
        %swap3A_273 = arith.constant 0 : i32
        %swap3A_274 = arith.constant 0 : i32
        %swap3A_275 = tpu.memref_slice %arg9[%scan3A_47, %swap3A_273, %swap3A_274] : memref<2x128x256xf32, #tpu.memory_space<vmem>> -> memref<1x128x256xf32, #tpu.memory_space<vmem>>
        %swap3A_276 = tpu.memref_squeeze %swap3A_275 : memref<1x128x256xf32, #tpu.memory_space<vmem>> -> memref<128x256xf32, #tpu.memory_space<vmem>>
        %swap3A_277 = arith.index_cast %while3A_223 : i32 to index
        %swap3A_278 = arith.constant 112 : index
        %swap3A_279 = tpu.vector_load %swap3A_276[%swap3A_277, %swap3A_278] {strides = array<i32>} : memref<128x256xf32, #tpu.memory_space<vmem>>, vector<16xf32>,
        tpu.vector_store %swap3A_276[%swap3A_277, %swap3A_278], %broadcast_in_dim3A_136 {strides = array<i32>} : memref<128x256xf32, #tpu.memory_space<vmem>>, vector<16xf32>,
        %swap3A_280 = arith.constant 0 : i32
        %swap3A_281 = arith.constant 0 : i32
        %swap3A_282 = tpu.memref_slice %arg9[%scan3A_47, %swap3A_280, %swap3A_281] : memref<2x128x256xf32, #tpu.memory_space<vmem>> -> memref<1x128x256xf32, #tpu.memory_space<vmem>>
        %swap3A_283 = tpu.memref_squeeze %swap3A_282 : memref<1x128x256xf32, #tpu.memory_space<vmem>> -> memref<128x256xf32, #tpu.memory_space<vmem>>
        %swap3A_284 = arith.index_cast %while3A_223 : i32 to index
        %swap3A_285 = arith.constant 128 : index
        %swap3A_286 = tpu.vector_load %swap3A_283[%swap3A_284, %swap3A_285] {strides = array<i32>} : memref<128x256xf32, #tpu.memory_space<vmem>>, vector<16xf32>,
        tpu.vector_store %swap3A_283[%swap3A_284, %swap3A_285], %broadcast_in_dim3A_136 {strides = array<i32>} : memref<128x256xf32, #tpu.memory_space<vmem>>, vector<16xf32>,
        %swap3A_287 = arith.constant 0 : i32
        %swap3A_288 = arith.constant 0 : i32
        %swap3A_289 = tpu.memref_slice %arg9[%scan3A_47, %swap3A_287, %swap3A_288] : memref<2x128x256xf32, #tpu.memory_space<vmem>> -> memref<1x128x256xf32, #tpu.memory_space<vmem>>
        %swap3A_290 = tpu.memref_squeeze %swap3A_289 : memref<1x128x256xf32, #tpu.memory_space<vmem>> -> memref<128x256xf32, #tpu.memory_space<vmem>>
        %swap3A_291 = arith.index_cast %while3A_223 : i32 to index
        %swap3A_292 = arith.constant 144 : index
        %swap3A_293 = tpu.vector_load %swap3A_290[%swap3A_291, %swap3A_292] {strides = array<i32>} : memref<128x256xf32, #tpu.memory_space<vmem>>, vector<16xf32>,
        tpu.vector_store %swap3A_290[%swap3A_291, %swap3A_292], %broadcast_in_dim3A_136 {strides = array<i32>} : memref<128x256xf32, #tpu.memory_space<vmem>>, vector<16xf32>,
        %swap3A_294 = arith.constant 0 : i32
        %swap3A_295 = arith.constant 0 : i32
        %swap3A_296 = tpu.memref_slice %arg9[%scan3A_47, %swap3A_294, %swap3A_295] : memref<2x128x256xf32, #tpu.memory_space<vmem>> -> memref<1x128x256xf32, #tpu.memory_space<vmem>>
        %swap3A_297 = tpu.memref_squeeze %swap3A_296 : memref<1x128x256xf32, #tpu.memory_space<vmem>> -> memref<128x256xf32, #tpu.memory_space<vmem>>
        %swap3A_298 = arith.index_cast %while3A_223 : i32 to index
        %swap3A_299 = arith.constant 160 : index
        %swap3A_300 = tpu.vector_load %swap3A_297[%swap3A_298, %swap3A_299] {strides = array<i32>} : memref<128x256xf32, #tpu.memory_space<vmem>>, vector<16xf32>,
        tpu.vector_store %swap3A_297[%swap3A_298, %swap3A_299], %broadcast_in_dim3A_136 {strides = array<i32>} : memref<128x256xf32, #tpu.memory_space<vmem>>, vector<16xf32>,
        %swap3A_301 = arith.constant 0 : i32
        %swap3A_302 = arith.constant 0 : i32
        %swap3A_303 = tpu.memref_slice %arg9[%scan3A_47, %swap3A_301, %swap3A_302] : memref<2x128x256xf32, #tpu.memory_space<vmem>> -> memref<1x128x256xf32, #tpu.memory_space<vmem>>
        %swap3A_304 = tpu.memref_squeeze %swap3A_303 : memref<1x128x256xf32, #tpu.memory_space<vmem>> -> memref<128x256xf32, #tpu.memory_space<vmem>>
        %swap3A_305 = arith.index_cast %while3A_223 : i32 to index
        %swap3A_306 = arith.constant 176 : index
        %swap3A_307 = tpu.vector_load %swap3A_304[%swap3A_305, %swap3A_306] {strides = array<i32>} : memref<128x256xf32, #tpu.memory_space<vmem>>, vector<16xf32>,
        tpu.vector_store %swap3A_304[%swap3A_305, %swap3A_306], %broadcast_in_dim3A_136 {strides = array<i32>} : memref<128x256xf32, #tpu.memory_space<vmem>>, vector<16xf32>,
        %swap3A_308 = arith.constant 0 : i32
        %swap3A_309 = arith.constant 0 : i32
        %swap3A_310 = tpu.memref_slice %arg9[%scan3A_47, %swap3A_308, %swap3A_309] : memref<2x128x256xf32, #tpu.memory_space<vmem>> -> memref<1x128x256xf32, #tpu.memory_space<vmem>>
        %swap3A_311 = tpu.memref_squeeze %swap3A_310 : memref<1x128x256xf32, #tpu.memory_space<vmem>> -> memref<128x256xf32, #tpu.memory_space<vmem>>
        %swap3A_312 = arith.index_cast %while3A_223 : i32 to index
        %swap3A_313 = arith.constant 192 : index
        %swap3A_314 = tpu.vector_load %swap3A_311[%swap3A_312, %swap3A_313] {strides = array<i32>} : memref<128x256xf32, #tpu.memory_space<vmem>>, vector<16xf32>,
        tpu.vector_store %swap3A_311[%swap3A_312, %swap3A_313], %broadcast_in_dim3A_136 {strides = array<i32>} : memref<128x256xf32, #tpu.memory_space<vmem>>, vector<16xf32>,
        %swap3A_315 = arith.constant 0 : i32
        %swap3A_316 = arith.constant 0 : i32
        %swap3A_317 = tpu.memref_slice %arg9[%scan3A_47, %swap3A_315, %swap3A_316] : memref<2x128x256xf32, #tpu.memory_space<vmem>> -> memref<1x128x256xf32, #tpu.memory_space<vmem>>
        %swap3A_318 = tpu.memref_squeeze %swap3A_317 : memref<1x128x256xf32, #tpu.memory_space<vmem>> -> memref<128x256xf32, #tpu.memory_space<vmem>>
        %swap3A_319 = arith.index_cast %while3A_223 : i32 to index
        %swap3A_320 = arith.constant 208 : index
        %swap3A_321 = tpu.vector_load %swap3A_318[%swap3A_319, %swap3A_320] {strides = array<i32>} : memref<128x256xf32, #tpu.memory_space<vmem>>, vector<16xf32>,
        tpu.vector_store %swap3A_318[%swap3A_319, %swap3A_320], %broadcast_in_dim3A_136 {strides = array<i32>} : memref<128x256xf32, #tpu.memory_space<vmem>>, vector<16xf32>,
        %swap3A_322 = arith.constant 0 : i32
        %swap3A_323 = arith.constant 0 : i32
        %swap3A_324 = tpu.memref_slice %arg9[%scan3A_47, %swap3A_322, %swap3A_323] : memref<2x128x256xf32, #tpu.memory_space<vmem>> -> memref<1x128x256xf32, #tpu.memory_space<vmem>>
        %swap3A_325 = tpu.memref_squeeze %swap3A_324 : memref<1x128x256xf32, #tpu.memory_space<vmem>> -> memref<128x256xf32, #tpu.memory_space<vmem>>
        %swap3A_326 = arith.index_cast %while3A_223 : i32 to index
        %swap3A_327 = arith.constant 224 : index
        %swap3A_328 = tpu.vector_load %swap3A_325[%swap3A_326, %swap3A_327] {strides = array<i32>} : memref<128x256xf32, #tpu.memory_space<vmem>>, vector<16xf32>,
        tpu.vector_store %swap3A_325[%swap3A_326, %swap3A_327], %broadcast_in_dim3A_136 {strides = array<i32>} : memref<128x256xf32, #tpu.memory_space<vmem>>, vector<16xf32>,
        %swap3A_329 = arith.constant 0 : i32
        %swap3A_330 = arith.constant 0 : i32
        %swap3A_331 = tpu.memref_slice %arg9[%scan3A_47, %swap3A_329, %swap3A_330] : memref<2x128x256xf32, #tpu.memory_space<vmem>> -> memref<1x128x256xf32, #tpu.memory_space<vmem>>
        %swap3A_332 = tpu.memref_squeeze %swap3A_331 : memref<1x128x256xf32, #tpu.memory_space<vmem>> -> memref<128x256xf32, #tpu.memory_space<vmem>>
        %swap3A_333 = arith.index_cast %while3A_223 : i32 to index
        %swap3A_334 = arith.constant 240 : index
        %swap3A_335 = tpu.vector_load %swap3A_332[%swap3A_333, %swap3A_334] {strides = array<i32>} : memref<128x256xf32, #tpu.memory_space<vmem>>, vector<16xf32>,
        tpu.vector_store %swap3A_332[%swap3A_333, %swap3A_334], %broadcast_in_dim3A_136 {strides = array<i32>} : memref<128x256xf32, #tpu.memory_space<vmem>>, vector<16xf32>,
        %while3A_336 = arith.constant 0 : i32
        scf.yield %while3A_336 : i32
      }
      %mul3A_147 = arith.constant 128 : i32
      %mul3A_148 = arith.muli %add3A_110, %mul3A_147 : i32
      %add3A_149 = arith.addi %mul3A_45, %mul3A_148 : i32
      %dma_start3A_150 = arith.constant 0 : i32
      %dma_start3A_151 = arith.constant 0 : i32
      %dma_start3A_152 = tpu.memref_slice %arg9[%scan3A_47, %dma_start3A_150, %dma_start3A_151] : memref<2x128x256xf32, #tpu.memory_space<vmem>> -> memref<1x128x256xf32, #tpu.memory_space<vmem>>
      %dma_start3A_153 = tpu.memref_squeeze %dma_start3A_152 : memref<1x128x256xf32, #tpu.memory_space<vmem>> -> memref<128x256xf32, #tpu.memory_space<vmem>>
      %dma_start3A_154 = arith.constant 0 : i32
      %dma_start3A_155 = tpu.memref_slice %arg4[%add3A_149, %dma_start3A_154] : memref<32768x256xf32, #tpu.memory_space<hbm>> -> memref<128x256xf32, #tpu.memory_space<hbm>>
      %dma_start3A_156 = arith.constant 0 : i32
      %dma_start3A_157 = tpu.memref_slice %arg4[%add3A_149, %dma_start3A_156] : memref<32768x256xf32, #tpu.memory_space<hbm>> -> memref<128x256xf32, #tpu.memory_space<hbm>>
      %dma_start3A_158 = arith.constant 0 : i32
      %dma_start3A_159 = arith.constant 0 : i32
      %dma_start3A_160 = tpu.memref_slice %arg9[%scan3A_47, %dma_start3A_158, %dma_start3A_159] : memref<2x128x256xf32, #tpu.memory_space<vmem>> -> memref<1x128x256xf32, #tpu.memory_space<vmem>>
      %dma_start3A_161 = tpu.memref_squeeze %dma_start3A_160 : memref<1x128x256xf32, #tpu.memory_space<vmem>> -> memref<128x256xf32, #tpu.memory_space<vmem>>
      tpu.enqueue_dma source(%dma_start3A_161 : memref<128x256xf32, #tpu.memory_space<vmem>>) target(%dma_start3A_157 : memref<128x256xf32, #tpu.memory_space<hbm>>) target_semaphore(%arg14 : memref<!tpu.dma_semaphore, #tpu.memory_space<semaphore_mem>>)
      %mul3A_162 = arith.constant 4 : i32
      %mul3A_163 = arith.muli %mul3A_162, %scan3A_104 : i32
      %add3A_164 = arith.constant 2 : i32
      %add3A_165 = arith.addi %mul3A_163, %add3A_164 : i32
      %add3A_166 = arith.addi %add3A_165, %xor3A : i32
      %mul3A_167 = arith.constant 128 : i32
      %mul3A_168 = arith.muli %add3A_166, %mul3A_167 : i32
      %sub3A_169 = arith.subi %min3A, %mul3A_168 : i32
      %jit3A_170 = arith.constant 0 : i32
      %jit3A_171 = arith.constant 128 : i32
      %max3A_172 = arith.maxsi %jit3A_170, %sub3A_169 : i32
      %min3A_173 = arith.minsi %jit3A_171, %max3A_172 : i32
      %gt3A_174 = arith.constant 0 : i32
      %gt3A_175 = arith.cmpi sgt, %scan3A_104, %gt3A_174 : i32
      %add3A_176 = arith.constant 512 : i32
      %add3A_177 = arith.addi %sub3A_169, %add3A_176 : i32
      %jit3A_178 = arith.constant 0 : i32
      %jit3A_179 = arith.constant 128 : i32
      %max3A_180 = arith.maxsi %jit3A_178, %add3A_177 : i32
      %min3A_181 = arith.minsi %jit3A_179, %max3A_180 : i32
      %jit3A_182 = arith.constant 128 : i32
      %select_n3A_183 = arith.select %gt3A_175, %min3A_181, %jit3A_182 : i32
      %gt3A_184 = arith.constant 0 : i32
      %gt3A_185 = arith.cmpi sgt, %scan3A_104, %gt3A_184 : i32
      %convert_element_type3A_186 = arith.extui %gt3A_185 : i1 to i32
      %cond3A_187 = arith.constant 0 : i32
      %cond3A_188 = arith.cmpi ne, %convert_element_type3A_186, %cond3A_187 : i32
      scf.if %cond3A_188 {
        %sub3A_223 = arith.constant 4 : i32
        %sub3A_224 = arith.subi %add3A_166, %sub3A_223 : i32
        %mul3A_225 = arith.constant 128 : i32
        %mul3A_226 = arith.muli %sub3A_224, %mul3A_225 : i32
        %add3A_227 = arith.addi %mul3A_45, %mul3A_226 : i32
        %dma_wait3A_228 = arith.constant 0 : i32
        %dma_wait3A_229 = arith.constant 0 : i32
        %dma_wait3A_230 = tpu.memref_slice %arg9[%scan3A_48, %dma_wait3A_228, %dma_wait3A_229] : memref<2x128x256xf32, #tpu.memory_space<vmem>> -> memref<1x128x256xf32, #tpu.memory_space<vmem>>
        %dma_wait3A_231 = tpu.memref_squeeze %dma_wait3A_230 : memref<1x128x256xf32, #tpu.memory_space<vmem>> -> memref<128x256xf32, #tpu.memory_space<vmem>>
        %dma_wait3A_232 = arith.constant 0 : i32
        %dma_wait3A_233 = tpu.memref_slice %arg4[%add3A_227, %dma_wait3A_232] : memref<32768x256xf32, #tpu.memory_space<hbm>> -> memref<128x256xf32, #tpu.memory_space<hbm>>
        %dma_wait3A_234 = arith.constant 0 : i32
        %dma_wait3A_235 = tpu.memref_slice %arg4[%add3A_227, %dma_wait3A_234] : memref<32768x256xf32, #tpu.memory_space<hbm>> -> memref<128x256xf32, #tpu.memory_space<hbm>>
        %dma_wait3A_236 = arith.constant 0 : i32
        %dma_wait3A_237 = arith.constant 0 : i32
        %dma_wait3A_238 = tpu.memref_slice %arg9[%scan3A_48, %dma_wait3A_236, %dma_wait3A_237] : memref<2x128x256xf32, #tpu.memory_space<vmem>> -> memref<1x128x256xf32, #tpu.memory_space<vmem>>
        %dma_wait3A_239 = tpu.memref_squeeze %dma_wait3A_238 : memref<1x128x256xf32, #tpu.memory_space<vmem>> -> memref<128x256xf32, #tpu.memory_space<vmem>>
        tpu.wait_dma2 semaphore(%arg15 : memref<!tpu.dma_semaphore, #tpu.memory_space<semaphore_mem>>) src(%dma_wait3A_239 : memref<128x256xf32, #tpu.memory_space<vmem>>) dst(%dma_wait3A_235 : memref<128x256xf32, #tpu.memory_space<hbm>>)
      } else {
      }
      %gt3A_189 = arith.constant 0 : i32
      %gt3A_190 = arith.cmpi sgt, %sub3A_169, %gt3A_189 : i32
      %convert_element_type3A_191 = arith.extui %gt3A_190 : i1 to i32
      %cond3A_192 = arith.constant 0 : i32
      %cond3A_193 = arith.cmpi ne, %convert_element_type3A_191, %cond3A_192 : i32
      scf.if %cond3A_193 {
        %mul3A_223 = arith.constant 128 : i32
        %mul3A_224 = arith.muli %add3A_166, %mul3A_223 : i32
        %dma_start3A_225 = arith.constant 0 : i32
        %dma_start3A_226 = arith.constant 0 : i32
        %dma_start3A_227 = tpu.memref_slice %arg9[%scan3A_48, %dma_start3A_225, %dma_start3A_226] : memref<2x128x256xf32, #tpu.memory_space<vmem>> -> memref<1x128x256xf32, #tpu.memory_space<vmem>>
        %dma_start3A_228 = tpu.memref_squeeze %dma_start3A_227 : memref<1x128x256xf32, #tpu.memory_space<vmem>> -> memref<128x256xf32, #tpu.memory_space<vmem>>
        %dma_start3A_229 = tpu.memref_slice %arg8[%mul3A_224] : memref<2048xi32, #tpu.memory_space<vmem>> -> memref<128xi32, #tpu.memory_space<vmem>>
        %dma_start3A_230 = arith.constant 0 : i32
        %dma_start3A_231 = arith.constant 0 : i32
        %dma_start3A_232 = tpu.memref_slice %arg2[%dma_start3A_230, %dma_start3A_231] : memref<8192x256xf32, #tpu.memory_space<hbm>> -> memref<8192x256xf32, #tpu.memory_space<hbm>>
        tpu.enqueue_indirect_dma source(%dma_start3A_232 : memref<8192x256xf32, #tpu.memory_space<hbm>>) target(%dma_start3A_228 : memref<128x256xf32, #tpu.memory_space<vmem>>) offsets(%dma_start3A_229 : memref<128xi32, #tpu.memory_space<vmem>>) semaphore(%arg13 : memref<!tpu.dma_semaphore, #tpu.memory_space<semaphore_mem>>)
        %dma_wait3A_233 = arith.constant 0 : i32
        %dma_wait3A_234 = arith.constant 0 : i32
        %dma_wait3A_235 = tpu.memref_slice %arg9[%scan3A_48, %dma_wait3A_233, %dma_wait3A_234] : memref<2x128x256xf32, #tpu.memory_space<vmem>> -> memref<1x128x256xf32, #tpu.memory_space<vmem>>
        %dma_wait3A_236 = tpu.memref_squeeze %dma_wait3A_235 : memref<1x128x256xf32, #tpu.memory_space<vmem>> -> memref<128x256xf32, #tpu.memory_space<vmem>>
        %dma_wait3A_237 = tpu.memref_slice %arg8[%mul3A_224] : memref<2048xi32, #tpu.memory_space<vmem>> -> memref<128xi32, #tpu.memory_space<vmem>>
        %dma_wait3A_238 = arith.constant 0 : i32
        %dma_wait3A_239 = arith.constant 0 : i32
        %dma_wait3A_240 = tpu.memref_slice %arg2[%dma_wait3A_238, %dma_wait3A_239] : memref<8192x256xf32, #tpu.memory_space<hbm>> -> memref<8192x256xf32, #tpu.memory_space<hbm>>
        tpu.wait_indirect_dma semaphore(%arg13 : memref<!tpu.dma_semaphore, #tpu.memory_space<semaphore_mem>>) src(%dma_wait3A_240 : memref<8192x256xf32, #tpu.memory_space<hbm>>) dst(%dma_wait3A_236 : memref<128x256xf32, #tpu.memory_space<vmem>>)
      } else {
      }
      %broadcast_in_dim3A_194 = arith.constant 0.000000e+00 : f32
      %broadcast_in_dim3A_195 = vector.broadcast %broadcast_in_dim3A_194 : f32 to vector<16xf32>
      %while3A_196 = arith.constant 0 : i32
      %while3A_197 = arith.subi %select_n3A_183, %min3A_173 : i32
      %while3A_198 = arith.addi %min3A_173, %while3A_197 : i32
      %while3A_199 = arith.constant 1 : i32
      %while3A_200 = arith.divsi %while3A_197, %while3A_199 : i32
      %while3A_201 = arith.muli %while3A_200, %while3A_199 : i32
      %while3A_202 = arith.addi %min3A_173, %while3A_201 : i32
      %while3A_203 = arith.constant 1 : i32
      %while3A_204 = scf.for %while3A_223 = %min3A_173 to %while3A_202 step %while3A_203 iter_args(%while3A_224 = %while3A_196) -> (i32)  : i32 {
        %swap3A = arith.constant 0 : i32
        %swap3A_225 = arith.constant 0 : i32
        %swap3A_226 = tpu.memref_slice %arg9[%scan3A_48, %swap3A, %swap3A_225] : memref<2x128x256xf32, #tpu.memory_space<vmem>> -> memref<1x128x256xf32, #tpu.memory_space<vmem>>
        %swap3A_227 = tpu.memref_squeeze %swap3A_226 : memref<1x128x256xf32, #tpu.memory_space<vmem>> -> memref<128x256xf32, #tpu.memory_space<vmem>>
        %swap3A_228 = arith.index_cast %while3A_223 : i32 to index
        %swap3A_229 = arith.constant 0 : index
        %swap3A_230 = tpu.vector_load %swap3A_227[%swap3A_228, %swap3A_229] {strides = array<i32>} : memref<128x256xf32, #tpu.memory_space<vmem>>, vector<16xf32>,
        tpu.vector_store %swap3A_227[%swap3A_228, %swap3A_229], %broadcast_in_dim3A_195 {strides = array<i32>} : memref<128x256xf32, #tpu.memory_space<vmem>>, vector<16xf32>,
        %swap3A_231 = arith.constant 0 : i32
        %swap3A_232 = arith.constant 0 : i32
        %swap3A_233 = tpu.memref_slice %arg9[%scan3A_48, %swap3A_231, %swap3A_232] : memref<2x128x256xf32, #tpu.memory_space<vmem>> -> memref<1x128x256xf32, #tpu.memory_space<vmem>>
        %swap3A_234 = tpu.memref_squeeze %swap3A_233 : memref<1x128x256xf32, #tpu.memory_space<vmem>> -> memref<128x256xf32, #tpu.memory_space<vmem>>
        %swap3A_235 = arith.index_cast %while3A_223 : i32 to index
        %swap3A_236 = arith.constant 16 : index
        %swap3A_237 = tpu.vector_load %swap3A_234[%swap3A_235, %swap3A_236] {strides = array<i32>} : memref<128x256xf32, #tpu.memory_space<vmem>>, vector<16xf32>,
        tpu.vector_store %swap3A_234[%swap3A_235, %swap3A_236], %broadcast_in_dim3A_195 {strides = array<i32>} : memref<128x256xf32, #tpu.memory_space<vmem>>, vector<16xf32>,
        %swap3A_238 = arith.constant 0 : i32
        %swap3A_239 = arith.constant 0 : i32
        %swap3A_240 = tpu.memref_slice %arg9[%scan3A_48, %swap3A_238, %swap3A_239] : memref<2x128x256xf32, #tpu.memory_space<vmem>> -> memref<1x128x256xf32, #tpu.memory_space<vmem>>
        %swap3A_241 = tpu.memref_squeeze %swap3A_240 : memref<1x128x256xf32, #tpu.memory_space<vmem>> -> memref<128x256xf32, #tpu.memory_space<vmem>>
        %swap3A_242 = arith.index_cast %while3A_223 : i32 to index
        %swap3A_243 = arith.constant 32 : index
        %swap3A_244 = tpu.vector_load %swap3A_241[%swap3A_242, %swap3A_243] {strides = array<i32>} : memref<128x256xf32, #tpu.memory_space<vmem>>, vector<16xf32>,
        tpu.vector_store %swap3A_241[%swap3A_242, %swap3A_243], %broadcast_in_dim3A_195 {strides = array<i32>} : memref<128x256xf32, #tpu.memory_space<vmem>>, vector<16xf32>,
        %swap3A_245 = arith.constant 0 : i32
        %swap3A_246 = arith.constant 0 : i32
        %swap3A_247 = tpu.memref_slice %arg9[%scan3A_48, %swap3A_245, %swap3A_246] : memref<2x128x256xf32, #tpu.memory_space<vmem>> -> memref<1x128x256xf32, #tpu.memory_space<vmem>>
        %swap3A_248 = tpu.memref_squeeze %swap3A_247 : memref<1x128x256xf32, #tpu.memory_space<vmem>> -> memref<128x256xf32, #tpu.memory_space<vmem>>
        %swap3A_249 = arith.index_cast %while3A_223 : i32 to index
        %swap3A_250 = arith.constant 48 : index
        %swap3A_251 = tpu.vector_load %swap3A_248[%swap3A_249, %swap3A_250] {strides = array<i32>} : memref<128x256xf32, #tpu.memory_space<vmem>>, vector<16xf32>,
        tpu.vector_store %swap3A_248[%swap3A_249, %swap3A_250], %broadcast_in_dim3A_195 {strides = array<i32>} : memref<128x256xf32, #tpu.memory_space<vmem>>, vector<16xf32>,
        %swap3A_252 = arith.constant 0 : i32
        %swap3A_253 = arith.constant 0 : i32
        %swap3A_254 = tpu.memref_slice %arg9[%scan3A_48, %swap3A_252, %swap3A_253] : memref<2x128x256xf32, #tpu.memory_space<vmem>> -> memref<1x128x256xf32, #tpu.memory_space<vmem>>
        %swap3A_255 = tpu.memref_squeeze %swap3A_254 : memref<1x128x256xf32, #tpu.memory_space<vmem>> -> memref<128x256xf32, #tpu.memory_space<vmem>>
        %swap3A_256 = arith.index_cast %while3A_223 : i32 to index
        %swap3A_257 = arith.constant 64 : index
        %swap3A_258 = tpu.vector_load %swap3A_255[%swap3A_256, %swap3A_257] {strides = array<i32>} : memref<128x256xf32, #tpu.memory_space<vmem>>, vector<16xf32>,
        tpu.vector_store %swap3A_255[%swap3A_256, %swap3A_257], %broadcast_in_dim3A_195 {strides = array<i32>} : memref<128x256xf32, #tpu.memory_space<vmem>>, vector<16xf32>,
        %swap3A_259 = arith.constant 0 : i32
        %swap3A_260 = arith.constant 0 : i32
        %swap3A_261 = tpu.memref_slice %arg9[%scan3A_48, %swap3A_259, %swap3A_260] : memref<2x128x256xf32, #tpu.memory_space<vmem>> -> memref<1x128x256xf32, #tpu.memory_space<vmem>>
        %swap3A_262 = tpu.memref_squeeze %swap3A_261 : memref<1x128x256xf32, #tpu.memory_space<vmem>> -> memref<128x256xf32, #tpu.memory_space<vmem>>
        %swap3A_263 = arith.index_cast %while3A_223 : i32 to index
        %swap3A_264 = arith.constant 80 : index
        %swap3A_265 = tpu.vector_load %swap3A_262[%swap3A_263, %swap3A_264] {strides = array<i32>} : memref<128x256xf32, #tpu.memory_space<vmem>>, vector<16xf32>,
        tpu.vector_store %swap3A_262[%swap3A_263, %swap3A_264], %broadcast_in_dim3A_195 {strides = array<i32>} : memref<128x256xf32, #tpu.memory_space<vmem>>, vector<16xf32>,
        %swap3A_266 = arith.constant 0 : i32
        %swap3A_267 = arith.constant 0 : i32
        %swap3A_268 = tpu.memref_slice %arg9[%scan3A_48, %swap3A_266, %swap3A_267] : memref<2x128x256xf32, #tpu.memory_space<vmem>> -> memref<1x128x256xf32, #tpu.memory_space<vmem>>
        %swap3A_269 = tpu.memref_squeeze %swap3A_268 : memref<1x128x256xf32, #tpu.memory_space<vmem>> -> memref<128x256xf32, #tpu.memory_space<vmem>>
        %swap3A_270 = arith.index_cast %while3A_223 : i32 to index
        %swap3A_271 = arith.constant 96 : index
        %swap3A_272 = tpu.vector_load %swap3A_269[%swap3A_270, %swap3A_271] {strides = array<i32>} : memref<128x256xf32, #tpu.memory_space<vmem>>, vector<16xf32>,
        tpu.vector_store %swap3A_269[%swap3A_270, %swap3A_271], %broadcast_in_dim3A_195 {strides = array<i32>} : memref<128x256xf32, #tpu.memory_space<vmem>>, vector<16xf32>,
        %swap3A_273 = arith.constant 0 : i32
        %swap3A_274 = arith.constant 0 : i32
        %swap3A_275 = tpu.memref_slice %arg9[%scan3A_48, %swap3A_273, %swap3A_274] : memref<2x128x256xf32, #tpu.memory_space<vmem>> -> memref<1x128x256xf32, #tpu.memory_space<vmem>>
        %swap3A_276 = tpu.memref_squeeze %swap3A_275 : memref<1x128x256xf32, #tpu.memory_space<vmem>> -> memref<128x256xf32, #tpu.memory_space<vmem>>
        %swap3A_277 = arith.index_cast %while3A_223 : i32 to index
        %swap3A_278 = arith.constant 112 : index
        %swap3A_279 = tpu.vector_load %swap3A_276[%swap3A_277, %swap3A_278] {strides = array<i32>} : memref<128x256xf32, #tpu.memory_space<vmem>>, vector<16xf32>,
        tpu.vector_store %swap3A_276[%swap3A_277, %swap3A_278], %broadcast_in_dim3A_195 {strides = array<i32>} : memref<128x256xf32, #tpu.memory_space<vmem>>, vector<16xf32>,
        %swap3A_280 = arith.constant 0 : i32
        %swap3A_281 = arith.constant 0 : i32
        %swap3A_282 = tpu.memref_slice %arg9[%scan3A_48, %swap3A_280, %swap3A_281] : memref<2x128x256xf32, #tpu.memory_space<vmem>> -> memref<1x128x256xf32, #tpu.memory_space<vmem>>
        %swap3A_283 = tpu.memref_squeeze %swap3A_282 : memref<1x128x256xf32, #tpu.memory_space<vmem>> -> memref<128x256xf32, #tpu.memory_space<vmem>>
        %swap3A_284 = arith.index_cast %while3A_223 : i32 to index
        %swap3A_285 = arith.constant 128 : index
        %swap3A_286 = tpu.vector_load %swap3A_283[%swap3A_284, %swap3A_285] {strides = array<i32>} : memref<128x256xf32, #tpu.memory_space<vmem>>, vector<16xf32>,
        tpu.vector_store %swap3A_283[%swap3A_284, %swap3A_285], %broadcast_in_dim3A_195 {strides = array<i32>} : memref<128x256xf32, #tpu.memory_space<vmem>>, vector<16xf32>,
        %swap3A_287 = arith.constant 0 : i32
        %swap3A_288 = arith.constant 0 : i32
        %swap3A_289 = tpu.memref_slice %arg9[%scan3A_48, %swap3A_287, %swap3A_288] : memref<2x128x256xf32, #tpu.memory_space<vmem>> -> memref<1x128x256xf32, #tpu.memory_space<vmem>>
        %swap3A_290 = tpu.memref_squeeze %swap3A_289 : memref<1x128x256xf32, #tpu.memory_space<vmem>> -> memref<128x256xf32, #tpu.memory_space<vmem>>
        %swap3A_291 = arith.index_cast %while3A_223 : i32 to index
        %swap3A_292 = arith.constant 144 : index
        %swap3A_293 = tpu.vector_load %swap3A_290[%swap3A_291, %swap3A_292] {strides = array<i32>} : memref<128x256xf32, #tpu.memory_space<vmem>>, vector<16xf32>,
        tpu.vector_store %swap3A_290[%swap3A_291, %swap3A_292], %broadcast_in_dim3A_195 {strides = array<i32>} : memref<128x256xf32, #tpu.memory_space<vmem>>, vector<16xf32>,
        %swap3A_294 = arith.constant 0 : i32
        %swap3A_295 = arith.constant 0 : i32
        %swap3A_296 = tpu.memref_slice %arg9[%scan3A_48, %swap3A_294, %swap3A_295] : memref<2x128x256xf32, #tpu.memory_space<vmem>> -> memref<1x128x256xf32, #tpu.memory_space<vmem>>
        %swap3A_297 = tpu.memref_squeeze %swap3A_296 : memref<1x128x256xf32, #tpu.memory_space<vmem>> -> memref<128x256xf32, #tpu.memory_space<vmem>>
        %swap3A_298 = arith.index_cast %while3A_223 : i32 to index
        %swap3A_299 = arith.constant 160 : index
        %swap3A_300 = tpu.vector_load %swap3A_297[%swap3A_298, %swap3A_299] {strides = array<i32>} : memref<128x256xf32, #tpu.memory_space<vmem>>, vector<16xf32>,
        tpu.vector_store %swap3A_297[%swap3A_298, %swap3A_299], %broadcast_in_dim3A_195 {strides = array<i32>} : memref<128x256xf32, #tpu.memory_space<vmem>>, vector<16xf32>,
        %swap3A_301 = arith.constant 0 : i32
        %swap3A_302 = arith.constant 0 : i32
        %swap3A_303 = tpu.memref_slice %arg9[%scan3A_48, %swap3A_301, %swap3A_302] : memref<2x128x256xf32, #tpu.memory_space<vmem>> -> memref<1x128x256xf32, #tpu.memory_space<vmem>>
        %swap3A_304 = tpu.memref_squeeze %swap3A_303 : memref<1x128x256xf32, #tpu.memory_space<vmem>> -> memref<128x256xf32, #tpu.memory_space<vmem>>
        %swap3A_305 = arith.index_cast %while3A_223 : i32 to index
        %swap3A_306 = arith.constant 176 : index
        %swap3A_307 = tpu.vector_load %swap3A_304[%swap3A_305, %swap3A_306] {strides = array<i32>} : memref<128x256xf32, #tpu.memory_space<vmem>>, vector<16xf32>,
        tpu.vector_store %swap3A_304[%swap3A_305, %swap3A_306], %broadcast_in_dim3A_195 {strides = array<i32>} : memref<128x256xf32, #tpu.memory_space<vmem>>, vector<16xf32>,
        %swap3A_308 = arith.constant 0 : i32
        %swap3A_309 = arith.constant 0 : i32
        %swap3A_310 = tpu.memref_slice %arg9[%scan3A_48, %swap3A_308, %swap3A_309] : memref<2x128x256xf32, #tpu.memory_space<vmem>> -> memref<1x128x256xf32, #tpu.memory_space<vmem>>
        %swap3A_311 = tpu.memref_squeeze %swap3A_310 : memref<1x128x256xf32, #tpu.memory_space<vmem>> -> memref<128x256xf32, #tpu.memory_space<vmem>>
        %swap3A_312 = arith.index_cast %while3A_223 : i32 to index
        %swap3A_313 = arith.constant 192 : index
        %swap3A_314 = tpu.vector_load %swap3A_311[%swap3A_312, %swap3A_313] {strides = array<i32>} : memref<128x256xf32, #tpu.memory_space<vmem>>, vector<16xf32>,
        tpu.vector_store %swap3A_311[%swap3A_312, %swap3A_313], %broadcast_in_dim3A_195 {strides = array<i32>} : memref<128x256xf32, #tpu.memory_space<vmem>>, vector<16xf32>,
        %swap3A_315 = arith.constant 0 : i32
        %swap3A_316 = arith.constant 0 : i32
        %swap3A_317 = tpu.memref_slice %arg9[%scan3A_48, %swap3A_315, %swap3A_316] : memref<2x128x256xf32, #tpu.memory_space<vmem>> -> memref<1x128x256xf32, #tpu.memory_space<vmem>>
        %swap3A_318 = tpu.memref_squeeze %swap3A_317 : memref<1x128x256xf32, #tpu.memory_space<vmem>> -> memref<128x256xf32, #tpu.memory_space<vmem>>
        %swap3A_319 = arith.index_cast %while3A_223 : i32 to index
        %swap3A_320 = arith.constant 208 : index
        %swap3A_321 = tpu.vector_load %swap3A_318[%swap3A_319, %swap3A_320] {strides = array<i32>} : memref<128x256xf32, #tpu.memory_space<vmem>>, vector<16xf32>,
        tpu.vector_store %swap3A_318[%swap3A_319, %swap3A_320], %broadcast_in_dim3A_195 {strides = array<i32>} : memref<128x256xf32, #tpu.memory_space<vmem>>, vector<16xf32>,
        %swap3A_322 = arith.constant 0 : i32
        %swap3A_323 = arith.constant 0 : i32
        %swap3A_324 = tpu.memref_slice %arg9[%scan3A_48, %swap3A_322, %swap3A_323] : memref<2x128x256xf32, #tpu.memory_space<vmem>> -> memref<1x128x256xf32, #tpu.memory_space<vmem>>
        %swap3A_325 = tpu.memref_squeeze %swap3A_324 : memref<1x128x256xf32, #tpu.memory_space<vmem>> -> memref<128x256xf32, #tpu.memory_space<vmem>>
        %swap3A_326 = arith.index_cast %while3A_223 : i32 to index
        %swap3A_327 = arith.constant 224 : index
        %swap3A_328 = tpu.vector_load %swap3A_325[%swap3A_326, %swap3A_327] {strides = array<i32>} : memref<128x256xf32, #tpu.memory_space<vmem>>, vector<16xf32>,
        tpu.vector_store %swap3A_325[%swap3A_326, %swap3A_327], %broadcast_in_dim3A_195 {strides = array<i32>} : memref<128x256xf32, #tpu.memory_space<vmem>>, vector<16xf32>,
        %swap3A_329 = arith.constant 0 : i32
        %swap3A_330 = arith.constant 0 : i32
        %swap3A_331 = tpu.memref_slice %arg9[%scan3A_48, %swap3A_329, %swap3A_330] : memref<2x128x256xf32, #tpu.memory_space<vmem>> -> memref<1x128x256xf32, #tpu.memory_space<vmem>>
        %swap3A_332 = tpu.memref_squeeze %swap3A_331 : memref<1x128x256xf32, #tpu.memory_space<vmem>> -> memref<128x256xf32, #tpu.memory_space<vmem>>
        %swap3A_333 = arith.index_cast %while3A_223 : i32 to index
        %swap3A_334 = arith.constant 240 : index
        %swap3A_335 = tpu.vector_load %swap3A_332[%swap3A_333, %swap3A_334] {strides = array<i32>} : memref<128x256xf32, #tpu.memory_space<vmem>>, vector<16xf32>,
        tpu.vector_store %swap3A_332[%swap3A_333, %swap3A_334], %broadcast_in_dim3A_195 {strides = array<i32>} : memref<128x256xf32, #tpu.memory_space<vmem>>, vector<16xf32>,
        %while3A_336 = arith.constant 0 : i32
        scf.yield %while3A_336 : i32
      }
      %while3A_205 = arith.constant 1 : i32
      %while3A_206 = scf.for %while3A_223 = %while3A_202 to %while3A_198 step %while3A_205 iter_args(%while3A_224 = %while3A_204) -> (i32)  : i32 {
        %swap3A = arith.constant 0 : i32
        %swap3A_225 = arith.constant 0 : i32
        %swap3A_226 = tpu.memref_slice %arg9[%scan3A_48, %swap3A, %swap3A_225] : memref<2x128x256xf32, #tpu.memory_space<vmem>> -> memref<1x128x256xf32, #tpu.memory_space<vmem>>
        %swap3A_227 = tpu.memref_squeeze %swap3A_226 : memref<1x128x256xf32, #tpu.memory_space<vmem>> -> memref<128x256xf32, #tpu.memory_space<vmem>>
        %swap3A_228 = arith.index_cast %while3A_223 : i32 to index
        %swap3A_229 = arith.constant 0 : index
        %swap3A_230 = tpu.vector_load %swap3A_227[%swap3A_228, %swap3A_229] {strides = array<i32>} : memref<128x256xf32, #tpu.memory_space<vmem>>, vector<16xf32>,
        tpu.vector_store %swap3A_227[%swap3A_228, %swap3A_229], %broadcast_in_dim3A_195 {strides = array<i32>} : memref<128x256xf32, #tpu.memory_space<vmem>>, vector<16xf32>,
        %swap3A_231 = arith.constant 0 : i32
        %swap3A_232 = arith.constant 0 : i32
        %swap3A_233 = tpu.memref_slice %arg9[%scan3A_48, %swap3A_231, %swap3A_232] : memref<2x128x256xf32, #tpu.memory_space<vmem>> -> memref<1x128x256xf32, #tpu.memory_space<vmem>>
        %swap3A_234 = tpu.memref_squeeze %swap3A_233 : memref<1x128x256xf32, #tpu.memory_space<vmem>> -> memref<128x256xf32, #tpu.memory_space<vmem>>
        %swap3A_235 = arith.index_cast %while3A_223 : i32 to index
        %swap3A_236 = arith.constant 16 : index
        %swap3A_237 = tpu.vector_load %swap3A_234[%swap3A_235, %swap3A_236] {strides = array<i32>} : memref<128x256xf32, #tpu.memory_space<vmem>>, vector<16xf32>,
        tpu.vector_store %swap3A_234[%swap3A_235, %swap3A_236], %broadcast_in_dim3A_195 {strides = array<i32>} : memref<128x256xf32, #tpu.memory_space<vmem>>, vector<16xf32>,
        %swap3A_238 = arith.constant 0 : i32
        %swap3A_239 = arith.constant 0 : i32
        %swap3A_240 = tpu.memref_slice %arg9[%scan3A_48, %swap3A_238, %swap3A_239] : memref<2x128x256xf32, #tpu.memory_space<vmem>> -> memref<1x128x256xf32, #tpu.memory_space<vmem>>
        %swap3A_241 = tpu.memref_squeeze %swap3A_240 : memref<1x128x256xf32, #tpu.memory_space<vmem>> -> memref<128x256xf32, #tpu.memory_space<vmem>>
        %swap3A_242 = arith.index_cast %while3A_223 : i32 to index
        %swap3A_243 = arith.constant 32 : index
        %swap3A_244 = tpu.vector_load %swap3A_241[%swap3A_242, %swap3A_243] {strides = array<i32>} : memref<128x256xf32, #tpu.memory_space<vmem>>, vector<16xf32>,
        tpu.vector_store %swap3A_241[%swap3A_242, %swap3A_243], %broadcast_in_dim3A_195 {strides = array<i32>} : memref<128x256xf32, #tpu.memory_space<vmem>>, vector<16xf32>,
        %swap3A_245 = arith.constant 0 : i32
        %swap3A_246 = arith.constant 0 : i32
        %swap3A_247 = tpu.memref_slice %arg9[%scan3A_48, %swap3A_245, %swap3A_246] : memref<2x128x256xf32, #tpu.memory_space<vmem>> -> memref<1x128x256xf32, #tpu.memory_space<vmem>>
        %swap3A_248 = tpu.memref_squeeze %swap3A_247 : memref<1x128x256xf32, #tpu.memory_space<vmem>> -> memref<128x256xf32, #tpu.memory_space<vmem>>
        %swap3A_249 = arith.index_cast %while3A_223 : i32 to index
        %swap3A_250 = arith.constant 48 : index
        %swap3A_251 = tpu.vector_load %swap3A_248[%swap3A_249, %swap3A_250] {strides = array<i32>} : memref<128x256xf32, #tpu.memory_space<vmem>>, vector<16xf32>,
        tpu.vector_store %swap3A_248[%swap3A_249, %swap3A_250], %broadcast_in_dim3A_195 {strides = array<i32>} : memref<128x256xf32, #tpu.memory_space<vmem>>, vector<16xf32>,
        %swap3A_252 = arith.constant 0 : i32
        %swap3A_253 = arith.constant 0 : i32
        %swap3A_254 = tpu.memref_slice %arg9[%scan3A_48, %swap3A_252, %swap3A_253] : memref<2x128x256xf32, #tpu.memory_space<vmem>> -> memref<1x128x256xf32, #tpu.memory_space<vmem>>
        %swap3A_255 = tpu.memref_squeeze %swap3A_254 : memref<1x128x256xf32, #tpu.memory_space<vmem>> -> memref<128x256xf32, #tpu.memory_space<vmem>>
        %swap3A_256 = arith.index_cast %while3A_223 : i32 to index
        %swap3A_257 = arith.constant 64 : index
        %swap3A_258 = tpu.vector_load %swap3A_255[%swap3A_256, %swap3A_257] {strides = array<i32>} : memref<128x256xf32, #tpu.memory_space<vmem>>, vector<16xf32>,
        tpu.vector_store %swap3A_255[%swap3A_256, %swap3A_257], %broadcast_in_dim3A_195 {strides = array<i32>} : memref<128x256xf32, #tpu.memory_space<vmem>>, vector<16xf32>,
        %swap3A_259 = arith.constant 0 : i32
        %swap3A_260 = arith.constant 0 : i32
        %swap3A_261 = tpu.memref_slice %arg9[%scan3A_48, %swap3A_259, %swap3A_260] : memref<2x128x256xf32, #tpu.memory_space<vmem>> -> memref<1x128x256xf32, #tpu.memory_space<vmem>>
        %swap3A_262 = tpu.memref_squeeze %swap3A_261 : memref<1x128x256xf32, #tpu.memory_space<vmem>> -> memref<128x256xf32, #tpu.memory_space<vmem>>
        %swap3A_263 = arith.index_cast %while3A_223 : i32 to index
        %swap3A_264 = arith.constant 80 : index
        %swap3A_265 = tpu.vector_load %swap3A_262[%swap3A_263, %swap3A_264] {strides = array<i32>} : memref<128x256xf32, #tpu.memory_space<vmem>>, vector<16xf32>,
        tpu.vector_store %swap3A_262[%swap3A_263, %swap3A_264], %broadcast_in_dim3A_195 {strides = array<i32>} : memref<128x256xf32, #tpu.memory_space<vmem>>, vector<16xf32>,
        %swap3A_266 = arith.constant 0 : i32
        %swap3A_267 = arith.constant 0 : i32
        %swap3A_268 = tpu.memref_slice %arg9[%scan3A_48, %swap3A_266, %swap3A_267] : memref<2x128x256xf32, #tpu.memory_space<vmem>> -> memref<1x128x256xf32, #tpu.memory_space<vmem>>
        %swap3A_269 = tpu.memref_squeeze %swap3A_268 : memref<1x128x256xf32, #tpu.memory_space<vmem>> -> memref<128x256xf32, #tpu.memory_space<vmem>>
        %swap3A_270 = arith.index_cast %while3A_223 : i32 to index
        %swap3A_271 = arith.constant 96 : index
        %swap3A_272 = tpu.vector_load %swap3A_269[%swap3A_270, %swap3A_271] {strides = array<i32>} : memref<128x256xf32, #tpu.memory_space<vmem>>, vector<16xf32>,
        tpu.vector_store %swap3A_269[%swap3A_270, %swap3A_271], %broadcast_in_dim3A_195 {strides = array<i32>} : memref<128x256xf32, #tpu.memory_space<vmem>>, vector<16xf32>,
        %swap3A_273 = arith.constant 0 : i32
        %swap3A_274 = arith.constant 0 : i32
        %swap3A_275 = tpu.memref_slice %arg9[%scan3A_48, %swap3A_273, %swap3A_274] : memref<2x128x256xf32, #tpu.memory_space<vmem>> -> memref<1x128x256xf32, #tpu.memory_space<vmem>>
        %swap3A_276 = tpu.memref_squeeze %swap3A_275 : memref<1x128x256xf32, #tpu.memory_space<vmem>> -> memref<128x256xf32, #tpu.memory_space<vmem>>
        %swap3A_277 = arith.index_cast %while3A_223 : i32 to index
        %swap3A_278 = arith.constant 112 : index
        %swap3A_279 = tpu.vector_load %swap3A_276[%swap3A_277, %swap3A_278] {strides = array<i32>} : memref<128x256xf32, #tpu.memory_space<vmem>>, vector<16xf32>,
        tpu.vector_store %swap3A_276[%swap3A_277, %swap3A_278], %broadcast_in_dim3A_195 {strides = array<i32>} : memref<128x256xf32, #tpu.memory_space<vmem>>, vector<16xf32>,
        %swap3A_280 = arith.constant 0 : i32
        %swap3A_281 = arith.constant 0 : i32
        %swap3A_282 = tpu.memref_slice %arg9[%scan3A_48, %swap3A_280, %swap3A_281] : memref<2x128x256xf32, #tpu.memory_space<vmem>> -> memref<1x128x256xf32, #tpu.memory_space<vmem>>
        %swap3A_283 = tpu.memref_squeeze %swap3A_282 : memref<1x128x256xf32, #tpu.memory_space<vmem>> -> memref<128x256xf32, #tpu.memory_space<vmem>>
        %swap3A_284 = arith.index_cast %while3A_223 : i32 to index
        %swap3A_285 = arith.constant 128 : index
        %swap3A_286 = tpu.vector_load %swap3A_283[%swap3A_284, %swap3A_285] {strides = array<i32>} : memref<128x256xf32, #tpu.memory_space<vmem>>, vector<16xf32>,
        tpu.vector_store %swap3A_283[%swap3A_284, %swap3A_285], %broadcast_in_dim3A_195 {strides = array<i32>} : memref<128x256xf32, #tpu.memory_space<vmem>>, vector<16xf32>,
        %swap3A_287 = arith.constant 0 : i32
        %swap3A_288 = arith.constant 0 : i32
        %swap3A_289 = tpu.memref_slice %arg9[%scan3A_48, %swap3A_287, %swap3A_288] : memref<2x128x256xf32, #tpu.memory_space<vmem>> -> memref<1x128x256xf32, #tpu.memory_space<vmem>>
        %swap3A_290 = tpu.memref_squeeze %swap3A_289 : memref<1x128x256xf32, #tpu.memory_space<vmem>> -> memref<128x256xf32, #tpu.memory_space<vmem>>
        %swap3A_291 = arith.index_cast %while3A_223 : i32 to index
        %swap3A_292 = arith.constant 144 : index
        %swap3A_293 = tpu.vector_load %swap3A_290[%swap3A_291, %swap3A_292] {strides = array<i32>} : memref<128x256xf32, #tpu.memory_space<vmem>>, vector<16xf32>,
        tpu.vector_store %swap3A_290[%swap3A_291, %swap3A_292], %broadcast_in_dim3A_195 {strides = array<i32>} : memref<128x256xf32, #tpu.memory_space<vmem>>, vector<16xf32>,
        %swap3A_294 = arith.constant 0 : i32
        %swap3A_295 = arith.constant 0 : i32
        %swap3A_296 = tpu.memref_slice %arg9[%scan3A_48, %swap3A_294, %swap3A_295] : memref<2x128x256xf32, #tpu.memory_space<vmem>> -> memref<1x128x256xf32, #tpu.memory_space<vmem>>
        %swap3A_297 = tpu.memref_squeeze %swap3A_296 : memref<1x128x256xf32, #tpu.memory_space<vmem>> -> memref<128x256xf32, #tpu.memory_space<vmem>>
        %swap3A_298 = arith.index_cast %while3A_223 : i32 to index
        %swap3A_299 = arith.constant 160 : index
        %swap3A_300 = tpu.vector_load %swap3A_297[%swap3A_298, %swap3A_299] {strides = array<i32>} : memref<128x256xf32, #tpu.memory_space<vmem>>, vector<16xf32>,
        tpu.vector_store %swap3A_297[%swap3A_298, %swap3A_299], %broadcast_in_dim3A_195 {strides = array<i32>} : memref<128x256xf32, #tpu.memory_space<vmem>>, vector<16xf32>,
        %swap3A_301 = arith.constant 0 : i32
        %swap3A_302 = arith.constant 0 : i32
        %swap3A_303 = tpu.memref_slice %arg9[%scan3A_48, %swap3A_301, %swap3A_302] : memref<2x128x256xf32, #tpu.memory_space<vmem>> -> memref<1x128x256xf32, #tpu.memory_space<vmem>>
        %swap3A_304 = tpu.memref_squeeze %swap3A_303 : memref<1x128x256xf32, #tpu.memory_space<vmem>> -> memref<128x256xf32, #tpu.memory_space<vmem>>
        %swap3A_305 = arith.index_cast %while3A_223 : i32 to index
        %swap3A_306 = arith.constant 176 : index
        %swap3A_307 = tpu.vector_load %swap3A_304[%swap3A_305, %swap3A_306] {strides = array<i32>} : memref<128x256xf32, #tpu.memory_space<vmem>>, vector<16xf32>,
        tpu.vector_store %swap3A_304[%swap3A_305, %swap3A_306], %broadcast_in_dim3A_195 {strides = array<i32>} : memref<128x256xf32, #tpu.memory_space<vmem>>, vector<16xf32>,
        %swap3A_308 = arith.constant 0 : i32
        %swap3A_309 = arith.constant 0 : i32
        %swap3A_310 = tpu.memref_slice %arg9[%scan3A_48, %swap3A_308, %swap3A_309] : memref<2x128x256xf32, #tpu.memory_space<vmem>> -> memref<1x128x256xf32, #tpu.memory_space<vmem>>
        %swap3A_311 = tpu.memref_squeeze %swap3A_310 : memref<1x128x256xf32, #tpu.memory_space<vmem>> -> memref<128x256xf32, #tpu.memory_space<vmem>>
        %swap3A_312 = arith.index_cast %while3A_223 : i32 to index
        %swap3A_313 = arith.constant 192 : index
        %swap3A_314 = tpu.vector_load %swap3A_311[%swap3A_312, %swap3A_313] {strides = array<i32>} : memref<128x256xf32, #tpu.memory_space<vmem>>, vector<16xf32>,
        tpu.vector_store %swap3A_311[%swap3A_312, %swap3A_313], %broadcast_in_dim3A_195 {strides = array<i32>} : memref<128x256xf32, #tpu.memory_space<vmem>>, vector<16xf32>,
        %swap3A_315 = arith.constant 0 : i32
        %swap3A_316 = arith.constant 0 : i32
        %swap3A_317 = tpu.memref_slice %arg9[%scan3A_48, %swap3A_315, %swap3A_316] : memref<2x128x256xf32, #tpu.memory_space<vmem>> -> memref<1x128x256xf32, #tpu.memory_space<vmem>>
        %swap3A_318 = tpu.memref_squeeze %swap3A_317 : memref<1x128x256xf32, #tpu.memory_space<vmem>> -> memref<128x256xf32, #tpu.memory_space<vmem>>
        %swap3A_319 = arith.index_cast %while3A_223 : i32 to index
        %swap3A_320 = arith.constant 208 : index
        %swap3A_321 = tpu.vector_load %swap3A_318[%swap3A_319, %swap3A_320] {strides = array<i32>} : memref<128x256xf32, #tpu.memory_space<vmem>>, vector<16xf32>,
        tpu.vector_store %swap3A_318[%swap3A_319, %swap3A_320], %broadcast_in_dim3A_195 {strides = array<i32>} : memref<128x256xf32, #tpu.memory_space<vmem>>, vector<16xf32>,
        %swap3A_322 = arith.constant 0 : i32
        %swap3A_323 = arith.constant 0 : i32
        %swap3A_324 = tpu.memref_slice %arg9[%scan3A_48, %swap3A_322, %swap3A_323] : memref<2x128x256xf32, #tpu.memory_space<vmem>> -> memref<1x128x256xf32, #tpu.memory_space<vmem>>
        %swap3A_325 = tpu.memref_squeeze %swap3A_324 : memref<1x128x256xf32, #tpu.memory_space<vmem>> -> memref<128x256xf32, #tpu.memory_space<vmem>>
        %swap3A_326 = arith.index_cast %while3A_223 : i32 to index
        %swap3A_327 = arith.constant 224 : index
        %swap3A_328 = tpu.vector_load %swap3A_325[%swap3A_326, %swap3A_327] {strides = array<i32>} : memref<128x256xf32, #tpu.memory_space<vmem>>, vector<16xf32>,
        tpu.vector_store %swap3A_325[%swap3A_326, %swap3A_327], %broadcast_in_dim3A_195 {strides = array<i32>} : memref<128x256xf32, #tpu.memory_space<vmem>>, vector<16xf32>,
        %swap3A_329 = arith.constant 0 : i32
        %swap3A_330 = arith.constant 0 : i32
        %swap3A_331 = tpu.memref_slice %arg9[%scan3A_48, %swap3A_329, %swap3A_330] : memref<2x128x256xf32, #tpu.memory_space<vmem>> -> memref<1x128x256xf32, #tpu.memory_space<vmem>>
        %swap3A_332 = tpu.memref_squeeze %swap3A_331 : memref<1x128x256xf32, #tpu.memory_space<vmem>> -> memref<128x256xf32, #tpu.memory_space<vmem>>
        %swap3A_333 = arith.index_cast %while3A_223 : i32 to index
        %swap3A_334 = arith.constant 240 : index
        %swap3A_335 = tpu.vector_load %swap3A_332[%swap3A_333, %swap3A_334] {strides = array<i32>} : memref<128x256xf32, #tpu.memory_space<vmem>>, vector<16xf32>,
        tpu.vector_store %swap3A_332[%swap3A_333, %swap3A_334], %broadcast_in_dim3A_195 {strides = array<i32>} : memref<128x256xf32, #tpu.memory_space<vmem>>, vector<16xf32>,
        %while3A_336 = arith.constant 0 : i32
        scf.yield %while3A_336 : i32
      }
      %mul3A_207 = arith.constant 128 : i32
      %mul3A_208 = arith.muli %add3A_166, %mul3A_207 : i32
      %add3A_209 = arith.addi %mul3A_45, %mul3A_208 : i32
      %dma_start3A_210 = arith.constant 0 : i32
      %dma_start3A_211 = arith.constant 0 : i32
      %dma_start3A_212 = tpu.memref_slice %arg9[%scan3A_48, %dma_start3A_210, %dma_start3A_211] : memref<2x128x256xf32, #tpu.memory_space<vmem>> -> memref<1x128x256xf32, #tpu.memory_space<vmem>>
      %dma_start3A_213 = tpu.memref_squeeze %dma_start3A_212 : memref<1x128x256xf32, #tpu.memory_space<vmem>> -> memref<128x256xf32, #tpu.memory_space<vmem>>
      %dma_start3A_214 = arith.constant 0 : i32
      %dma_start3A_215 = tpu.memref_slice %arg4[%add3A_209, %dma_start3A_214] : memref<32768x256xf32, #tpu.memory_space<hbm>> -> memref<128x256xf32, #tpu.memory_space<hbm>>
      %dma_start3A_216 = arith.constant 0 : i32
      %dma_start3A_217 = tpu.memref_slice %arg4[%add3A_209, %dma_start3A_216] : memref<32768x256xf32, #tpu.memory_space<hbm>> -> memref<128x256xf32, #tpu.memory_space<hbm>>
      %dma_start3A_218 = arith.constant 0 : i32
      %dma_start3A_219 = arith.constant 0 : i32
      %dma_start3A_220 = tpu.memref_slice %arg9[%scan3A_48, %dma_start3A_218, %dma_start3A_219] : memref<2x128x256xf32, #tpu.memory_space<vmem>> -> memref<1x128x256xf32, #tpu.memory_space<vmem>>
      %dma_start3A_221 = tpu.memref_squeeze %dma_start3A_220 : memref<1x128x256xf32, #tpu.memory_space<vmem>> -> memref<128x256xf32, #tpu.memory_space<vmem>>
      tpu.enqueue_dma source(%dma_start3A_221 : memref<128x256xf32, #tpu.memory_space<vmem>>) target(%dma_start3A_217 : memref<128x256xf32, #tpu.memory_space<hbm>>) target_semaphore(%arg15 : memref<!tpu.dma_semaphore, #tpu.memory_space<semaphore_mem>>)
      %scan3A_222 = arith.constant 0 : i32
      scf.yield %scan3A_222 : i32
    }
    %scan3A_55 = arith.constant 4 : i32
    %eq3A = arith.constant 0 : i32
    %eq3A_56 = arith.cmpi eq, %arg0, %eq3A : i32
    %eq3A_57 = arith.constant 0 : i32
    %eq3A_58 = arith.cmpi eq, %arg1, %eq3A_57 : i32
    %and3A_59 = arith.andi %eq3A_56, %eq3A_58 : i1
    %convert_element_type3A = arith.extui %and3A_59 : i1 to i32
    %cond3A = arith.constant 0 : i32
    %cond3A_60 = arith.cmpi ne, %convert_element_type3A, %cond3A : i32
    scf.if %cond3A_60 {
      "tpu.region"() ({
        %run_scoped3A = tpu.sem_alloc : memref<!tpu.dma_semaphore, #tpu.memory_space<semaphore_mem>>
        tpu.enqueue_dma source(%arg3 : memref<16x512xi32, #tpu.memory_space<hbm>>) target(%arg12 : memref<16x512xi32, #tpu.memory_space<vmem>>) target_semaphore(%run_scoped3A : memref<!tpu.dma_semaphore, #tpu.memory_space<semaphore_mem>>)
        tpu.wait_dma2 semaphore(%run_scoped3A : memref<!tpu.dma_semaphore, #tpu.memory_space<semaphore_mem>>) src(%arg3 : memref<16x512xi32, #tpu.memory_space<hbm>>) dst(%arg12 : memref<16x512xi32, #tpu.memory_space<vmem>>)
        tpu.yield
      }) : () -> ()
      %scan3A_104 = arith.constant 0 : i32
      %scan3A_105 = arith.constant 0 : i32
      %scan3A_106 = arith.constant 16 : i32
      %scan3A_107 = arith.addi %scan3A_105, %scan3A_106 : i32
      %scan3A_108 = arith.constant 1 : i32
      %scan3A_109 = scf.for %scan3A_114 = %scan3A_105 to %scan3A_107 step %scan3A_108 iter_args(%scan3A_115 = %scan3A_104) -> (i32)  : i32 {
        %broadcast_in_dim3A_116 = arith.constant 0 : i32
        %broadcast_in_dim3A_117 = vector.broadcast %broadcast_in_dim3A_116 : i32 to vector<16xi32>
        %scan3A_118 = arith.constant 0 : i32
        %scan3A_119 = arith.constant 8 : i32
        %scan3A_120 = arith.addi %scan3A_118, %scan3A_119 : i32
        %scan3A_121 = arith.constant 1 : i32
        %scan3A_122 = scf.for %scan3A_137 = %scan3A_118 to %scan3A_120 step %scan3A_121 iter_args(%scan3A_138 = %broadcast_in_dim3A_117) -> (vector<16xi32>)  : i32 {
          %mul3A_139 = arith.constant 4 : i32
          %mul3A_140 = arith.muli %scan3A_137, %mul3A_139 : i32
          %add3A_141 = arith.constant 0 : i32
          %add3A_142 = arith.addi %mul3A_140, %add3A_141 : i32
          %mul3A_143 = arith.constant 16 : i32
          %mul3A_144 = arith.muli %add3A_142, %mul3A_143 : i32
          %get3A = arith.index_cast %scan3A_114 : i32 to index
          %get3A_145 = arith.index_cast %mul3A_144 : i32 to index
          %get3A_146 = tpu.vector_load %arg12[%get3A, %get3A_145] {strides = array<i32>} : memref<16x512xi32, #tpu.memory_space<vmem>>, vector<16xi32>,
          %add3A_147 = arith.addi %scan3A_138, %get3A_146 : vector<16xi32>
          %mul3A_148 = arith.constant 4 : i32
          %mul3A_149 = arith.muli %scan3A_137, %mul3A_148 : i32
          %add3A_150 = arith.constant 1 : i32
          %add3A_151 = arith.addi %mul3A_149, %add3A_150 : i32
          %mul3A_152 = arith.constant 16 : i32
          %mul3A_153 = arith.muli %add3A_151, %mul3A_152 : i32
          %get3A_154 = arith.index_cast %scan3A_114 : i32 to index
          %get3A_155 = arith.index_cast %mul3A_153 : i32 to index
          %get3A_156 = tpu.vector_load %arg12[%get3A_154, %get3A_155] {strides = array<i32>} : memref<16x512xi32, #tpu.memory_space<vmem>>, vector<16xi32>,
          %add3A_157 = arith.addi %add3A_147, %get3A_156 : vector<16xi32>
          %mul3A_158 = arith.constant 4 : i32
          %mul3A_159 = arith.muli %scan3A_137, %mul3A_158 : i32
          %add3A_160 = arith.constant 2 : i32
          %add3A_161 = arith.addi %mul3A_159, %add3A_160 : i32
          %mul3A_162 = arith.constant 16 : i32
          %mul3A_163 = arith.muli %add3A_161, %mul3A_162 : i32
          %get3A_164 = arith.index_cast %scan3A_114 : i32 to index
          %get3A_165 = arith.index_cast %mul3A_163 : i32 to index
          %get3A_166 = tpu.vector_load %arg12[%get3A_164, %get3A_165] {strides = array<i32>} : memref<16x512xi32, #tpu.memory_space<vmem>>, vector<16xi32>,
          %add3A_167 = arith.addi %add3A_157, %get3A_166 : vector<16xi32>
          %mul3A_168 = arith.constant 4 : i32
          %mul3A_169 = arith.muli %scan3A_137, %mul3A_168 : i32
          %add3A_170 = arith.constant 3 : i32
          %add3A_171 = arith.addi %mul3A_169, %add3A_170 : i32
          %mul3A_172 = arith.constant 16 : i32
          %mul3A_173 = arith.muli %add3A_171, %mul3A_172 : i32
          %get3A_174 = arith.index_cast %scan3A_114 : i32 to index
          %get3A_175 = arith.index_cast %mul3A_173 : i32 to index
          %get3A_176 = tpu.vector_load %arg12[%get3A_174, %get3A_175] {strides = array<i32>} : memref<16x512xi32, #tpu.memory_space<vmem>>, vector<16xi32>,
          %add3A_177 = arith.addi %add3A_167, %get3A_176 : vector<16xi32>
          scf.yield %add3A_177 : vector<16xi32>
        }
        %scan3A_123 = arith.constant 8 : i32
        %broadcast_in_dim3A_124 = arith.constant true
        %broadcast_in_dim3A_125 = vector.broadcast %broadcast_in_dim3A_124 : i1 to vector<16xi1>
        %masked_cumsum3A = tpu.scan <sum>, %scan3A_122 masked %broadcast_in_dim3A_125 : vector<16xi32>, vector<16xi1> -> vector<16xi32>
        %lt3A = arith.constant 0 : i32
        %lt3A_126 = vector.broadcast %lt3A : i32 to vector<16xi32>
        %lt3A_127 = arith.cmpi slt, %broadcast_in_dim3A_0, %lt3A_126 : vector<16xi32>
        %add3A_128 = arith.constant 16 : i32
        %add3A_129 = vector.broadcast %add3A_128 : i32 to vector<16xi32>
        %add3A_130 = arith.addi %broadcast_in_dim3A_0, %add3A_129 : vector<16xi32>
        %select_n3A = arith.select %lt3A_127, %add3A_130, %broadcast_in_dim3A_0 : vector<16xi1>, vector<16xi32>
        %reshape3A = vector.shape_cast %select_n3A : vector<16xi32> to vector<16x1xi32>
        %gather3A_131 = vector.shape_cast %reshape3A : vector<16x1xi32> to vector<16xi32>
        %gather3A_132 = tpu.dynamic_gather %masked_cumsum3A[%gather3A_131] in [0] : vector<16xi32>, vector<16xi32> -> vector<16xi32>
        %swap3A_133 = arith.index_cast %scan3A_114 : i32 to index
        %swap3A_134 = arith.constant 0 : index
        %swap3A_135 = tpu.vector_load %arg11[%swap3A_133, %swap3A_134] {strides = array<i32>} : memref<16x16xi32, #tpu.memory_space<vmem>>, vector<16xi32>,
        tpu.vector_store %arg11[%swap3A_133, %swap3A_134], %gather3A_132 {strides = array<i32>} : memref<16x16xi32, #tpu.memory_space<vmem>>, vector<16xi32>,
        %scan3A_136 = arith.constant 0 : i32
        scf.yield %scan3A_136 : i32
      }
      %scan3A_110 = arith.constant 16 : i32
      %iota3A = tpu.iota {dimensions = array<i32: 0>} : vector<16xi32>
      %broadcast_in_dim3A_111 = arith.constant 0 : i32
      %broadcast_in_dim3A_112 = vector.broadcast %broadcast_in_dim3A_111 : i32 to vector<16xi32>
      %gather3A = tpu.vector_load_idx %arg11[%iota3A, %broadcast_in_dim3A_112] : memref<16x16xi32, #tpu.memory_space<vmem>>[vector<16xi32>, vector<16xi32>], vector<16xi32>,
      %swap3A = arith.constant 0 : index
      %swap3A_113 = tpu.vector_load %arg10[%swap3A] {strides = array<i32>} : memref<16xi32, #tpu.memory_space<vmem>>, vector<16xi32>,
      tpu.vector_store %arg10[%swap3A], %gather3A {strides = array<i32>} : memref<16xi32, #tpu.memory_space<vmem>>, vector<16xi32>,
    } else {
    }
    %add3A = arith.constant 12 : i32
    %add3A_61 = arith.addi %add3A, %xor3A : i32
    %mul3A_62 = arith.constant 128 : i32
    %mul3A_63 = arith.muli %add3A_61, %mul3A_62 : i32
    %add3A_64 = arith.addi %mul3A_45, %mul3A_63 : i32
    %dma_wait3A_65 = arith.constant 0 : i32
    %dma_wait3A_66 = arith.constant 0 : i32
    %dma_wait3A_67 = arith.constant 0 : i32
    %dma_wait3A_68 = tpu.memref_slice %arg9[%dma_wait3A_65, %dma_wait3A_66, %dma_wait3A_67] : memref<2x128x256xf32, #tpu.memory_space<vmem>> -> memref<1x128x256xf32, #tpu.memory_space<vmem>>
    %dma_wait3A_69 = tpu.memref_squeeze %dma_wait3A_68 : memref<1x128x256xf32, #tpu.memory_space<vmem>> -> memref<128x256xf32, #tpu.memory_space<vmem>>
    %dma_wait3A_70 = arith.constant 0 : i32
    %dma_wait3A_71 = tpu.memref_slice %arg4[%add3A_64, %dma_wait3A_70] : memref<32768x256xf32, #tpu.memory_space<hbm>> -> memref<128x256xf32, #tpu.memory_space<hbm>>
    %dma_wait3A_72 = arith.constant 0 : i32
    %dma_wait3A_73 = tpu.memref_slice %arg4[%add3A_64, %dma_wait3A_72] : memref<32768x256xf32, #tpu.memory_space<hbm>> -> memref<128x256xf32, #tpu.memory_space<hbm>>
    %dma_wait3A_74 = arith.constant 0 : i32
    %dma_wait3A_75 = arith.constant 0 : i32
    %dma_wait3A_76 = tpu.memref_slice %arg9[%dma_wait3A_65, %dma_wait3A_74, %dma_wait3A_75] : memref<2x128x256xf32, #tpu.memory_space<vmem>> -> memref<1x128x256xf32, #tpu.memory_space<vmem>>
    %dma_wait3A_77 = tpu.memref_squeeze %dma_wait3A_76 : memref<1x128x256xf32, #tpu.memory_space<vmem>> -> memref<128x256xf32, #tpu.memory_space<vmem>>
    tpu.wait_dma2 semaphore(%arg14 : memref<!tpu.dma_semaphore, #tpu.memory_space<semaphore_mem>>) src(%dma_wait3A_77 : memref<128x256xf32, #tpu.memory_space<vmem>>) dst(%dma_wait3A_73 : memref<128x256xf32, #tpu.memory_space<hbm>>)
    %add3A_78 = arith.constant 14 : i32
    %add3A_79 = arith.addi %add3A_78, %xor3A : i32
    %mul3A_80 = arith.constant 128 : i32
    %mul3A_81 = arith.muli %add3A_79, %mul3A_80 : i32
    %add3A_82 = arith.addi %mul3A_45, %mul3A_81 : i32
    %dma_wait3A_83 = arith.constant 1 : i32
    %dma_wait3A_84 = arith.constant 0 : i32
    %dma_wait3A_85 = arith.constant 0 : i32
    %dma_wait3A_86 = tpu.memref_slice %arg9[%dma_wait3A_83, %dma_wait3A_84, %dma_wait3A_85] : memref<2x128x256xf32, #tpu.memory_space<vmem>> -> memref<1x128x256xf32, #tpu.memory_space<vmem>>
    %dma_wait3A_87 = tpu.memref_squeeze %dma_wait3A_86 : memref<1x128x256xf32, #tpu.memory_space<vmem>> -> memref<128x256xf32, #tpu.memory_space<vmem>>
    %dma_wait3A_88 = arith.constant 0 : i32
    %dma_wait3A_89 = tpu.memref_slice %arg4[%add3A_82, %dma_wait3A_88] : memref<32768x256xf32, #tpu.memory_space<hbm>> -> memref<128x256xf32, #tpu.memory_space<hbm>>
    %dma_wait3A_90 = arith.constant 0 : i32
    %dma_wait3A_91 = tpu.memref_slice %arg4[%add3A_82, %dma_wait3A_90] : memref<32768x256xf32, #tpu.memory_space<hbm>> -> memref<128x256xf32, #tpu.memory_space<hbm>>
    %dma_wait3A_92 = arith.constant 0 : i32
    %dma_wait3A_93 = arith.constant 0 : i32
    %dma_wait3A_94 = tpu.memref_slice %arg9[%dma_wait3A_83, %dma_wait3A_92, %dma_wait3A_93] : memref<2x128x256xf32, #tpu.memory_space<vmem>> -> memref<1x128x256xf32, #tpu.memory_space<vmem>>
    %dma_wait3A_95 = tpu.memref_squeeze %dma_wait3A_94 : memref<1x128x256xf32, #tpu.memory_space<vmem>> -> memref<128x256xf32, #tpu.memory_space<vmem>>
    tpu.wait_dma2 semaphore(%arg15 : memref<!tpu.dma_semaphore, #tpu.memory_space<semaphore_mem>>) src(%dma_wait3A_95 : memref<128x256xf32, #tpu.memory_space<vmem>>) dst(%dma_wait3A_91 : memref<128x256xf32, #tpu.memory_space<hbm>>)
    %eq3A_96 = arith.constant 0 : i32
    %eq3A_97 = arith.cmpi eq, %arg0, %eq3A_96 : i32
    %eq3A_98 = arith.constant 0 : i32
    %eq3A_99 = arith.cmpi eq, %arg1, %eq3A_98 : i32
    %and3A_100 = arith.andi %eq3A_97, %eq3A_99 : i1
    %convert_element_type3A_101 = arith.extui %and3A_100 : i1 to i32
    %cond3A_102 = arith.constant 0 : i32
    %cond3A_103 = arith.cmpi ne, %convert_element_type3A_101, %cond3A_102 : i32
    scf.if %cond3A_103 {
      "tpu.region"() ({
        %run_scoped3A = tpu.sem_alloc : memref<!tpu.dma_semaphore, #tpu.memory_space<semaphore_mem>>
        tpu.enqueue_dma source(%arg10 : memref<16xi32, #tpu.memory_space<vmem>>) target(%arg5 : memref<16xi32, #tpu.memory_space<hbm>>) target_semaphore(%run_scoped3A : memref<!tpu.dma_semaphore, #tpu.memory_space<semaphore_mem>>)
        tpu.wait_dma2 semaphore(%run_scoped3A : memref<!tpu.dma_semaphore, #tpu.memory_space<semaphore_mem>>) src(%arg10 : memref<16xi32, #tpu.memory_space<vmem>>) dst(%arg5 : memref<16xi32, #tpu.memory_space<hbm>>)
        tpu.yield
      }) : () -> ()
    } else {
    }
    return
  }
}

</mosaic_0001>

<sc_bundles>
// kernel: _length_regulate.3.cloned.1.call-start
scs
__scs_entry_jumppad:
0x0: {  	(pc) =	sbr.rel $0x88, $3  }
0x1: {  	(tag) =	ssettag $0x0;
	lr =	simm.s32 $0x1  }
0x2: {  	[smem:$0x3F9F] =	sst lr;
	_ =	strace $0xD0000000  }
0x3: {  	_ = 	snop  }
0x4: {  	_ = 	snop  }
0x5: {  	_ = 	snop  }
0x6: {  	_ = 	snop  }
0x7: {  	_ = 	snop  }
__scs_overlays_trampoline_lowered:
0x8: {  	[smem:$0x3FAE] =	sst s0  }
0x9: {  	[smem:$0x3FAF] =	sst s1  }
0xa: {  	[smem:$0x3FB0] =	sst s2  }
0xb: {  	[smem:$0x3FB1] =	sst s3  }
0xc: {  	[smem:$0x3FB2] =	sst s4  }
0xd: {  	[smem:$0x3FB3] =	sst s5  }
0xe: {  	[smem:$0x3FB4] =	sst s6  }
0xf: {  	[smem:$0x3FB5] =	sst s7  }
0x10: {  	[smem:$0x3FB6] =	sst s8  }
0x11: {  	[smem:$0x3FB7] =	sst s9;
	s0 =	simm.s32 @!p0 $0x0  }
0x12: {  	s1 =	sld [smem:$0x3F9D];
	s0 =	simm.s32 @p0 $0x1  }
0x13: {  	[smem:$0x3FB8] =	sst s0;
	s0 =	simm.s32 @!p1 $0x0  }
0x14: {  	s2 =	sld [smem:$0x3F9C];
	s0 =	simm.s32 @p1 $0x1  }
0x15: {  	[smem:$0x3FB9] =	sst s0;
	s0 =	simm.s32 @!p2 $0x0  }
0x16: {  	s3 =	sld [smem:$0x3FDB];
	s0 =	simm.s32 @p2 $0x1  }
0x17: {  	s4 =	simm.s32 $0x1BF5;
	[smem:$0x3FBB] =	sst s0  }
0x18: {  	s0 =	sld [smem:$0x3F9E];
	_ =	swait.ge [sflag:s4], $0x0  }
0x19: {  	s7 =	sld [smem:$0x3F9F]  }
0x1a: {  	s8 =	sadd.s32 $0xFFFFE003, lr  }
0x1b: {  	s9 =	sadd.s32 $0xFFFFFEF7, lr;
	s5 =	simm.s32 $0xFFFFFFFF;
	p2 =	slt.u32 s8, $0xFFFFF086  }
0x1c: {  	p1 =	slt.u32 s9, $0xF7A;
	s5 =	simm.s32 @!p2 $0x0  }
0x1d: {  	s5 =	simm.s32 @p1 $0x1;
	p0 =	seq.s32 s7, s2  }
0x1e: {  	s7 =	smul.u32 @!p0 $0xF7A, s2;
	p2 =	seq.s32 @!p0 s5, $0x0  }
0x1f: {  	s9 =	smul.u32 $0xF7A, s1;
	s8 =	simm.s32 @!p0 $0x1BF5;
	p2 =	por !p2, p0  }
0x20: {  	[sflag:s8] =	ssyncset.s32 @!p0 $0xFFFFF086;
	s6 =	sadd.s32 @!p0 s3, s7;
	s7 =	simm.s32 @!p0 $0x108  }
0x21: {  	s3 =	sadd.s32 s3, s9;
	s6 =	sadd.s32 @!p0 $0x88, s6;
	s7 =	simm.s32 @p2 $0x1082  }
0x22: {  	[simem:s7], [sflag:s8] =	dma.local @!p0 [hbm:s6], $0xF7A  }
0x23: {  	s9 =	sor.u32 $0xD0000000, s2;
	s6 =	simm.s32 $0x108;
	_ =	swait.ge @!p0 [sflag:s8], $0x0  }
0x24: {  	s3 =	sadd.s32 $0x88, s3;
	s6 =	simm.s32 @!p1 $0x1082;
	[sflag:s4] =	ssyncset.s32 $0xFFFFF086  }
0x25: {  	[simem:s6], [sflag:s4] =	dma.local [hbm:s3], $0xF7A  }
0x26: {  	[smem:$0x3F9F] =	sst s1;
	(tag) =	ssettag s2;
	_ =	strace s9  }
0x27: {  	s1 =	sld [smem:$0x3FAF]  }
0x28: {  	s2 =	sld [smem:$0x3FB0]  }
0x29: {  	s4 =	sld [smem:$0x3FB2]  }
0x2a: {  	p0 =	seq.s32 s5, $0x0;
	s5 =	sld [smem:$0x3FB3]  }
0x2b: {  	s6 =	sld [smem:$0x3FB4]  }
0x2c: {  	s7 =	sld [smem:$0x3FB5]  }
0x2d: {  	s3 =	simm.s32 $0x108;
	s8 =	sld [smem:$0x3FB6]  }
0x2e: {  	s3 =	simm.s32 @!p0 $0x1082;
	s9 =	sld [smem:$0x3FB7]  }
0x2f: {  	lr =	sadd.s32 s0, s3;
	s0 =	sld [smem:$0x3FAE]  }
0x30: {  	s3 =	sld [smem:$0x3FB1]  }
0x31: {  	[smem:$0x3FBA] =	sst s10  }
0x32: {  	s10 =	sld [smem:$0x3FB8];
	_ =	sdelay $0x3  }
0x33: {  	p0 =	seq.s32 s10, $0x1;
	s10 =	sld [smem:$0x3FBA];
	_ =	sdelay $0x3  }
0x34: {  	[smem:$0x3FBA] =	sst s10  }
0x35: {  	s10 =	sld [smem:$0x3FB9];
	_ =	sdelay $0x3  }
0x36: {  	p1 =	seq.s32 s10, $0x1;
	s10 =	sld [smem:$0x3FBA];
	_ =	sdelay $0x3  }
0x37: {  	[smem:$0x3FBA] =	sst s10  }
0x38: {  	s10 =	sld [smem:$0x3FBB]  }
0x39: {  	_ = 	snop;
	(pc) =	sbr.ind lr, $3  }
0x3a: {  	_ = 	snop  }
0x3b: {  	_ = 	snop  }
0x3c: {  	p2 =	seq.s32 s10, $0x1;
	s10 =	sld [smem:$0x3FBA]  }
0x3d: {  	_ =	shalt  }
0x3e: {  	_ =	shalt  }
0x3f: {  	_ =	shalt  }
0x40: {  	_ =	shalt  }
0x41: {  	_ =	shalt  }
0x42: {  	_ =	shalt  }
0x43: {  	_ =	shalt  }
0x44: {  	_ =	shalt  }
0x45: {  	_ =	shalt  }
0x46: {  	_ =	shalt  }
0x47: {  	_ =	shalt  }
0x48: {  	_ =	shalt  }
0x49: {  	_ =	shalt  }
0x4a: {  	_ =	shalt  }
0x4b: {  	_ =	shalt  }
0x4c: {  	_ =	shalt  }
0x4d: {  	_ =	shalt  }
0x4e: {  	_ =	shalt  }
0x4f: {  	_ =	shalt  }
0x50: {  	_ =	shalt  }
0x51: {  	_ =	shalt  }
0x52: {  	_ =	shalt  }
0x53: {  	_ =	shalt  }
0x54: {  	_ =	shalt  }
0x55: {  	_ =	shalt  }
0x56: {  	_ =	shalt  }
0x57: {  	_ =	shalt  }
0x58: {  	_ =	shalt  }
0x59: {  	_ =	shalt  }
0x5a: {  	_ =	shalt  }
0x5b: {  	_ =	shalt  }
0x5c: {  	_ =	shalt  }
0x5d: {  	_ =	shalt  }
0x5e: {  	_ =	shalt  }
0x5f: {  	_ =	shalt  }
0x60: {  	_ =	shalt  }
0x61: {  	_ =	shalt  }
0x62: {  	_ =	shalt  }
0x63: {  	_ =	shalt  }
0x64: {  	_ =	shalt  }
0x65: {  	_ =	shalt  }
0x66: {  	_ =	shalt  }
0x67: {  	_ =	shalt  }
0x68: {  	_ =	shalt  }
0x69: {  	_ =	shalt  }
0x6a: {  	_ =	shalt  }
0x6b: {  	_ =	shalt  }
0x6c: {  	_ =	shalt  }
0x6d: {  	_ =	shalt  }
0x6e: {  	_ =	shalt  }
0x6f: {  	_ =	shalt  }
0x70: {  	_ =	shalt  }
0x71: {  	_ =	shalt  }
0x72: {  	_ =	shalt  }
0x73: {  	_ =	shalt  }
0x74: {  	_ =	shalt  }
0x75: {  	_ =	shalt  }
0x76: {  	_ =	shalt  }
0x77: {  	_ =	shalt  }
0x78: {  	_ =	shalt  }
0x79: {  	_ =	shalt  }
0x7a: {  	_ =	shalt  }
0x7b: {  	_ =	shalt  }
0x7c: {  	_ =	shalt  }
0x7d: {  	_ =	shalt  }
0x7e: {  	_ =	shalt  }
0x7f: {  	_ =	shalt  }
0x80: {  	_ =	shalt  }
0x81: {  	_ =	shalt  }
0x82: {  	_ =	shalt  }
0x83: {  	_ =	shalt  }
0x84: {  	_ =	shalt  }
0x85: {  	_ =	shalt  }
0x86: {  	_ =	shalt  }
0x87: {  	_ =	shalt  }
.Lfunc_end0:
.L_simem_size_0:
called_computation_lowered:
.L_overlay_start_0:
0x88: {  	s2 =	sld [smem:$0x3FD9]  }
0x89: {  	s3 =	sld [smem:$0x3FFE];
	_ =	sdelay $0x1  }
0x8a: {  	s1 =	srdreg.scid  }
0x8b: {  	s0 =	sand.u32 $0x1, s1  }
0x8c: {  	s15 =	sshll.u32 s0, $0xA;
	s2 =	sadd.s32 s3, s2  }
0x8d: {  	s2 =	sadd.s32 s2, s15  }
0x8e: {  	[smem:$0x3FC6] =	sst s2  }
0x8f: {  	_ = 	snop  }
0x90: {  	s2 =	sld [smem:$0x3FD0];
	_ =	sdelay $0x1  }
0x91: {  	s16 =	sld [smem:$0x3FC9]  }
0x92: {  	s5 =	simm.s32 $0xA;
	s6 =	simm.s32 $0x10;
	s4 =	sld [smem:$0x3FC8]  }
0x93: {  	[smem:s6], [sflag:s5] =	dma.local [hbm:s2], $0x1  }
0x94: {  	_ =	swait.eq [sflag:s5], $0x1  }
0x95: {  	[sflag:s5] =	ssyncset.done $0x0  }
0x96: {  	s17 =	sld [smem:$0x10];
	[sflag:s5] =	ssyncadd.s32 $0xFFFFFFFF  }
0x97: {  	s18 =	sld [smem:$0x11];
	(tm) =	ssettm $0x1  }
0x98: {  	s19 =	sld [smem:$0x3FFB];
	_ =	sdelay $0x3  }
0x99: {  	_ =	strace s19  }
0x9a: {  	s6 =	sld [smem:$0x3FFC];
	_ =	sdelay $0x3  }
0x9b: {  	_ =	strace s6  }
0x9c: {  	s6 =	sld [smem:$0x3FFD];
	_ =	sdelay $0x3  }
0x9d: {  	_ =	strace s6  }
0x9e: {  	_ =	strace $0x8FFFFFFF  }
0x9f: {  	s20 =	sld [smem:$0x3FDB];
	_ =	sdelay $0x1  }
0xa0: {  	s7 =	simm.s32 $_scs_section_size  }
0xa1: {  	s8 =	simm.s32 $_size__tile_overlayer_lowered;
	s9 =	simm.s32 $_tile_overlayer_lowered  }
0xa2: {  	s23 =	simm.s32 $0x1BFF;
	s22 =	sshll.u32 s9, $0x1;
	s6 =	sadd.s32 s7, s20  }
0xa3: {  	s10 =	simm.s32 $0x0;
	s21 =	sshll.u32 s8, $0x1;
	s8 =	sadd.s32 s22, s6  }
0xa4: {  	[timem:s10], [sflag:s23] =	dma.local [hbm:s8], s21  }
0xa5: {  	_ =	swait.ge [sflag:s23], s21  }
0xa6: {  	s7 =	ssub.s32 $0x0, s21;
	[sflag:s23] =	ssyncset.done $0x0  }
0xa7: {  	[sflag:s23] =	ssyncadd.s32 s7;
	_ =	sdelay $0x1  }
0xa8: {  	s24 =	simm.s32 $0x1B8B  }
0xa9: {  	_ =	swait.ge [sflag:s24], $0x1  }
0xaa: {  	[sflag:s24] =	ssyncset.done $0x0  }
0xab: {  	s25 =	simm.s32 $0x1B8E;
	[sflag:s24] =	ssyncadd.s32 $0xFFFFFFFF  }
0xac: {  	s26 =	simm.s32 $execute0_lowered;
	[smem:$0x3FD2] =	sst s25  }
0xad: {  	s7 =	sshll.u32 s26, $0x1;
	_ =	strace $0x80000046;
	[dreg:$0x1] =	wrdreg $0xFFFFFFFF  }
0xae: {  	s28 =	simm.s32 $_size_execute0_lowered;
	s6 =	sadd.s32 s6, s7;
	[dreg:$0x0] =	wrdreg $0x0  }
0xaf: {  	s7 =	sshll.u32 s28, $0x1;
	[dreg:$0x2] =	wrdreg s6  }
0xb0: {  	[dreg:$0x3] =	wrdreg s7  }
0xb1: {  	[dreg:$0x4] =	wrdreg $0xC0  }
0xb2: {  	_ =	task [dreg:s10], $0x5FFFF  }
0xb3: {  	[dreg:$0x1] =	wrdreg $0xFFFFFFFF  }
0xb4: {  	[dreg:$0x0] =	wrdreg $0x60  }
0xb5: {  	[dreg:$0x2] =	wrdreg s16  }
0xb6: {  	[dreg:$0x3] =	wrdreg s4  }
0xb7: {  	[dreg:$0x4] =	wrdreg s17  }
0xb8: {  	[dreg:$0x5] =	wrdreg s18  }
0xb9: {  	[dreg:$0x6] =	wrdreg $0x9  }
0xba: {  	_ =	task.clear_ibuf [dreg:s10], $0x7FFFF;
	_ =	strace $0x90000046  }
0xbb: {  	s29 =	simm.s32 $0x9;
	_ =	strace $0x80000048  }
0xbc: {  	_ =	swait.ge [sflag:s29], $0x1  }
0xbd: {  	[sflag:s29] =	ssyncadd.s32 $0xFFFFFFFF  }
0xbe: {  	_ =	strace $0x90000048  }
0xbf: {  	_ =	sfence  }
0xc0: {  	s30 =	sld [smem:$0x0];
	_ =	sdelay $0x2  }
0xc1: {  	s31 =	sshll.u32 s1, $0xD;
	s1 =	sshrl.u32 s1, $0x2  }
0xc2: {  	s3 =	sand.u32 $0x4000, s31;
	s1 =	sadd.s32 s1, s30  }
0xc3: {  	s0 =	sor.u32 s3, s0;
	s1 =	sshll.u32 s1, $0x11  }
0xc4: {  	s0 =	sor.u32 s1, s0  }
0xc5: {  	s0 =	sadd.s32 $0x8F2B, s0  }
0xc6: {  	[sflag:s0] =	ssyncadd.remote.s32 $0x1  }
0xc7: {  	_ =	sfence.sel $0xFFFF  }
0xc8: {  	[dreg:$0x0] =	wrdreg $0xFFFFFFFF;
	(pc) =	sbr.abs _section_cstart, $3  }
0xc9: {  	[dreg:$0x1] =	wrdreg $0xFFFFFFFF  }
0xca: {  	_ =	task.clear_ibuf [dreg:s10], $0x2FFFF;
	_ =	strace $0x9FFFFFFF  }
0xcb: {  	(tm) =	ssettm $0x7FFFFFFF  }
tec
execute0_lowered:
.L_overlay_start_1:
0x0: {  	(tag) =	ssettag $0x1  }
0x1: {  	s1 =	rddreg [dreg:$0x0]  }
0x2: {  	s10 =	rddreg [dreg:$0x1]  }
0x3: {  	s3 =	rddreg [dreg:$0x2];
	s6 =	simm.s32 $0x0;
	s0 =	srdreg.scid  }
0x4: {  	s11 =	stileid.u32;
	s15 =	simm.s32 $0x1;
	s16 =	simm.s32 $0x200  }
0x5: {  	s17 =	simm.s32 $0x1200;
	s12 =	simm.s32 $0xCA00;
	s18 =	simm.s32 $0xD200  }
0x6: {  	s19 =	simm.s32 $0xDA00;
	s20 =	simm.s32 $0xE200;
	s21 =	simm.s32 $0xEA00  }
0x7: {  	s22 =	simm.s32 $0xF200;
	s23 =	simm.s32 $0xFA00;
	s24 =	simm.s32 $0x10200  }
0x8: {  	s25 =	simm.s32 $0x10A00;
	[smem:$0x7FF] =	sst s6;
	s2 =	sand.u32 $0x1, s0  }
0x9: {  	s5 =	sshll.u32 s11, $0x9;
	s4 =	sshll.u32 s11, $0x7;
	s0 =	sxor.u32 s0, s11  }
0xa: {  	s7 =	ssub.s32 $0x2, s2;
	s8 =	sand.u32 $0x1000, s5;
	s4 =	sand.u32 $0x380, s4  }
0xb: {  	_ =	strace $0x80000047;
	s9 =	sshrl.u32 s7, $0x1;
	s4 =	sor.u32 s4, s8  }
0xc: {  	s2 =	sor.u32 s11, s2;
	s26 =	ssub.s32 s7, s9;
	s4 =	sshrl.u32 s4, $0x3  }
.Ltmp0:
0xd: {  	s7 =	sand.u32 $0x1, s0;
	s28 =	sadd.s32 s10, s4;
	(pc) =	sbr.rel .LBB2_1-.Ltmp0, $4  }
0xe: {  	v0 =	vlaneseq.u32;
	s29 =	sshll.u32 s7, $0x7;
	s30 =	smax.u32 s26, $0x1;
	[dreg:$0x5] =	wrdreg s28  }
0xf: {  	v2 =	vimm.s32 $0x0;
	v3 =	vimm.s32 $0xF;
	vm0 =	vmmov $0xffff;
	p0 =	sne.s32 s2, $0x0;
	[dreg:$0x6] =	wrdreg s30;
	s31 =	ssub.s32 $0x0, s29  }
0x10: {  	v7 =	vimm.f32 $0.0e+00;
	v5 =	vshrl.u32 v0, $0x3;
	v4 =	vand.u32 $0x7, v0;
	s8 =	simm.s32 $0x0;
	s0 =	ssub.s32 $0xFFFFFF00, s29;
	[dreg:$0x7] =	wrdreg s31  }
0x11: {  	v6 =	vor.u32 $0x8, v0;
	v1 =	vmov s5;
	v5 =	vmul.u32 $0x8, v5;
	s9 =	sshll.u32 s11, $0xB;
	s4 =	simm.s32 $0x9200;
	[dreg:$0x8] =	wrdreg s0  }
.LBB2_21:
.Ltmp1:
0x12: {  	(pc) =	sbr.rel @!p0 .LBB2_22-.Ltmp1, $1  }
0x13: {  	_ =	sdelay $0x3  }
0x14: {  	s0 =	simm.s32 $0x2  }
0x15: {  	_ =	swait.ge [sflag:s0], $0x8000  }
0x16: {  	[sflag:s0] =	ssyncset.done $0x0  }
0x17: {  	s31 =	simm.s32 $0x3;
	[sflag:s0] =	ssyncadd.s32 $0xFFFF8000  }
0x18: {  	_ =	swait.ge [sflag:s31], $0x8000  }
0x19: {  	[sflag:s31] =	ssyncset.done $0x0  }
0x1a: {  	s8 =	rddreg [dreg:$0x9];
	[sflag:s31] =	ssyncadd.s32 $0xFFFF8000  }
.LBB2_26:
0x1b: {  	s8 =	sadd.s32 $0x1, s8;
	s0 =	rddreg [dreg:$0x6]  }
0x1c: {  	p1 =	sne.s32 s8, s0  }
.Ltmp2:
0x1d: {  	_ = 	snop;
	(pc) =	sbr.rel @!p1 .LBB2_27-.Ltmp2, $1  }
0x1e: {  	_ =	sdelay $0x3  }
.LBB2_1:
0x1f: {  	s0 =	rddreg [dreg:$0x5];
	s2 =	simm.s32 $0x80;
	s5 =	simm.s32 $0x400  }
0x20: {  	[tilespmem:s6], [sflag:$0x1] =	stream.strided.gather [hbm4b:s0+s2], $0x200, s5, s2, $0x38;
	[tilespmem:$0x13A80] =	vst v63  }
0x21: {  	s0 =	simm.s32 $0x40;
	s2 =	simm.s32 $0x0  }
.LBB2_2:
0x22: {  	p1 =	sne.s32 s0, $0x1FC0;
	[tilespmem:s2+$0x200] =	vst v2;
	s2 =	smov.u32 s0;
	s0 =	sadd.s32 $0x40, s0  }
.Ltmp3:
0x23: {  	(pc) =	sbr.rel @p1 .LBB2_2-.Ltmp3, $2  }
0x24: {  	_ =	sdelay $0x2  }
0x25: {  	s2 =	sshra.s32 s2, $0x2  }
0x26: {  	[tilespmem:s2+$0x200] =	vst v2  }
0x27: {  	_ =	swait.ge [sflag:s15], $0x200  }
0x28: {  	s0 =	simm.s32 $0x0;
	[sflag:s15] =	ssyncset.done $0x0  }
0x29: {  	v9 =	vimm.s32 $0x0;
	s2 =	simm.s32 $0x0;
	s5 =	simm.s32 $0x0;
	v8 =	vimm.s32 $0x0;
	[sflag:s15] =	ssyncadd.s32 $0xFFFFFE00  }
.LBB2_4:
0x2a: {  	v10 =	vld [tilespmem:s2+$0x0];
	_ =	sdelay $0x4  }
0x2b: {  	(xrf0) =	vadd.scan.msk.s32 $0xffff, v10;
	_ =	sdelay $0x5  }
0x2c: {  	v12 =	vsub.s32 v8, v10;
	v11, _, _ =	vpop (xrf0)  }
0x2d: {  	v12 =	vadd.s32 v11, v12  }
0x2e: {  	vm1 =	vgt.s32 v10, $0x0;
	vm2 =	vlt.s32 v12, $0x800  }
0x2f: {  	vm1 =	vmand vm1, vm2  }
0x30: {  	p1 =	sne.s32 s5, $0x1F0  }
.Ltmp4:
0x31: {  	_ = 	snop;
	(pc) =	sbr.rel @p1 .LBB2_4-.Ltmp4, $4  }
0x32: {  	_ = 	snop  }
0x33: {  	v10 =	vperm.xlane v11, v3  }
0x34: {  	v11 =	vor.u32 s5, v0  }
0x35: {  	s2 =	sadd.s32 $0x10, s2;
	s5 =	sadd.s32 $0x10, s5;
	v8 =	vadd.s32 v8, v10;
	[tilespmem:v12+s16+$0x0] =	vst.idx.msk vm1, v11  }
0x36: {  	s2 =	simm.s32 $0x220  }
0x37: {  	v10 =	vld [tilespmem:s2+$0xFFFFFFE0];
	_ =	sdelay $0x4  }
0x38: {  	v10 =	vxor.u32 $0x80000000, v10  }
0x39: {  	(xrf0) =	vmax.scan.msk.u32 $0xffff, v10;
	_ =	sdelay $0x5  }
0x3a: {  	v10, _, _ =	vpop (xrf0)  }
0x3b: {  	v10 =	vxor.u32 $0x80000000, v10  }
0x3c: {  	v11 =	vor.u32 s0, v0;
	vm1 =	vgt.s32 v10, v9  }
0x3d: {  	vm2 =	vlt.s32 v11, v8;
	v11 =	vand.u32 $0x1CF, v11;
	v12 =	vsel vm1, v10, v9  }
0x3e: {  	v11 =	vsel vm2, v12, v11  }
0x3f: {  	s26 =	simm.s32 $0xA20;
	v11 =	vadd.s32 v1, v11  }
0x40: {  	[tilespmem:s26+$0xFFFFFFE0] =	vst v11  }
0x41: {  	v11 =	vld [tilespmem:s2+$0xFFFFFFF0];
	_ =	sdelay $0x4  }
0x42: {  	v11 =	vxor.u32 $0x80000000, v11  }
0x43: {  	(xrf0) =	vmax.scan.msk.u32 $0xffff, v11;
	_ =	sdelay $0x3  }
0x44: {  	v10 =	vperm.xlane v10, v3;
	_ =	sdelay $0x1  }
0x45: {  	vm1 =	vgt.s32 v9, v10;
	v11, _, _ =	vpop (xrf0)  }
0x46: {  	s14 =	simm.s32 $0x10;
	v9 =	vsel vm1, v9, v10;
	v10 =	vxor.u32 $0x80000000, v11  }
0x47: {  	v11 =	vor.u32 s14, v0;
	vm1 =	vgt.s32 v10, v9  }
0x48: {  	vm2 =	vlt.s32 v11, v8;
	v11 =	vand.u32 $0x1DF, v11;
	v61 =	vsel vm1, v10, v9  }
0x49: {  	v11 =	vsel vm2, v61, v11  }
0x4a: {  	v11 =	vadd.s32 v1, v11  }
0x4b: {  	[tilespmem:s26+$0xFFFFFFF0] =	vst v11  }
0x4c: {  	v11 =	vld [tilespmem:s2+$0x0];
	_ =	sdelay $0x4  }
0x4d: {  	v11 =	vxor.u32 $0x80000000, v11  }
0x4e: {  	(xrf0) =	vmax.scan.msk.u32 $0xffff, v11;
	_ =	sdelay $0x3  }
0x4f: {  	v10 =	vperm.xlane v10, v3;
	_ =	sdelay $0x1  }
0x50: {  	vm1 =	vgt.s32 v9, v10;
	v11, _, _ =	vpop (xrf0)  }
0x51: {  	s30 =	simm.s32 $0x20;
	v9 =	vsel vm1, v9, v10;
	v10 =	vxor.u32 $0x80000000, v11  }
0x52: {  	v11 =	vor.u32 s30, v0;
	vm1 =	vgt.s32 v10, v9  }
0x53: {  	vm2 =	vlt.s32 v11, v8;
	v11 =	vand.u32 $0x1EF, v11;
	v62 =	vsel vm1, v10, v9  }
0x54: {  	v11 =	vsel vm2, v62, v11  }
0x55: {  	v11 =	vadd.s32 v1, v11  }
0x56: {  	[tilespmem:s26+$0x0] =	vst v11  }
0x57: {  	v11 =	vld [tilespmem:s2+$0x10];
	_ =	sdelay $0x4  }
0x58: {  	v11 =	vxor.u32 $0x80000000, v11  }
0x59: {  	(xrf0) =	vmax.scan.msk.u32 $0xffff, v11;
	_ =	sdelay $0x3  }
0x5a: {  	v10 =	vperm.xlane v10, v3;
	_ =	sdelay $0x1  }
0x5b: {  	vm1 =	vgt.s32 v9, v10;
	v11, _, _ =	vpop (xrf0)  }
0x5c: {  	s31 =	simm.s32 $0x30;
	v9 =	vsel vm1, v9, v10;
	v10 =	vxor.u32 $0x80000000, v11  }
0x5d: {  	v11 =	vor.u32 s31, v0;
	vm1 =	vgt.s32 v10, v9  }
0x5e: {  	vm2 =	vlt.s32 v11, v8;
	v11 =	vand.u32 $0x1FF, v11;
	v63 =	vsel vm1, v10, v9  }
0x5f: {  	v10 =	vperm.xlane v10, v3;
	v11 =	vsel vm2, v63, v11  }
0x60: {  	v11 =	vadd.s32 v1, v11  }
0x61: {  	s29 =	simm.s32 $0x260;
	vm1 =	vgt.s32 v9, v10;
	[tilespmem:s26+$0x10] =	vst v11  }
0x62: {  	[dreg:$0x9] =	wrdreg s8;
	s28 =	simm.s32 $0x40;
	s0 =	simm.s32 $0x80;
	v9 =	vsel vm1, v9, v10;
	v10 =	vld [tilespmem:s29+$0xFFFFFFE0]  }
.LBB2_6:
0x63: {  	p1 =	sne.s32 s0, $0x7C0;
	_ =	sdelay $0x3  }
0x64: {  	v10 =	vxor.u32 $0x80000000, v10  }
0x65: {  	(xrf0) =	vmax.scan.msk.u32 $0xffff, v10;
	_ =	sdelay $0x5  }
0x66: {  	v10, _, _ =	vpop (xrf0)  }
0x67: {  	v10 =	vxor.u32 $0x80000000, v10  }
0x68: {  	v11 =	vor.u32 s28, v0;
	vm1 =	vgt.s32 v10, v9  }
0x69: {  	vm2 =	vlt.s32 v11, v8;
	v11 =	vand.u32 $0x1CF, v11;
	v12 =	vsel vm1, v10, v9  }
0x6a: {  	v11 =	vsel vm2, v12, v11  }
0x6b: {  	s26 =	sadd.s32 $0x40, s26;
	v11 =	vadd.s32 v1, v11  }
0x6c: {  	[tilespmem:s26+$0xFFFFFFE0] =	vst v11  }
0x6d: {  	v11 =	vld [tilespmem:s29+$0xFFFFFFF0];
	_ =	sdelay $0x4  }
0x6e: {  	v11 =	vxor.u32 $0x80000000, v11  }
0x6f: {  	(xrf0) =	vmax.scan.msk.u32 $0xffff, v11;
	_ =	sdelay $0x3  }
0x70: {  	v10 =	vperm.xlane v10, v3;
	_ =	sdelay $0x1  }
0x71: {  	vm1 =	vgt.s32 v9, v10;
	v11, _, _ =	vpop (xrf0)  }
0x72: {  	s2 =	sadd.s32 $0x10, s28;
	v9 =	vsel vm1, v9, v10;
	v10 =	vxor.u32 $0x80000000, v11  }
0x73: {  	v11 =	vor.u32 s2, v0;
	vm1 =	vgt.s32 v10, v9  }
0x74: {  	vm2 =	vlt.s32 v11, v8;
	v11 =	vand.u32 $0x1DF, v11;
	v12 =	vsel vm1, v10, v9  }
0x75: {  	v11 =	vsel vm2, v12, v11  }
0x76: {  	v11 =	vadd.s32 v1, v11  }
0x77: {  	[tilespmem:s26+$0xFFFFFFF0] =	vst v11  }
0x78: {  	v11 =	vld [tilespmem:s29+$0x0];
	_ =	sdelay $0x4  }
0x79: {  	v11 =	vxor.u32 $0x80000000, v11  }
0x7a: {  	(xrf0) =	vmax.scan.msk.u32 $0xffff, v11;
	_ =	sdelay $0x3  }
0x7b: {  	v10 =	vperm.xlane v10, v3;
	_ =	sdelay $0x1  }
0x7c: {  	vm1 =	vgt.s32 v9, v10;
	v11, _, _ =	vpop (xrf0)  }
0x7d: {  	s2 =	sadd.s32 $0x20, s28;
	v9 =	vsel vm1, v9, v10;
	v10 =	vxor.u32 $0x80000000, v11  }
0x7e: {  	v11 =	vor.u32 s2, v0;
	vm1 =	vgt.s32 v10, v9  }
0x7f: {  	vm2 =	vlt.s32 v11, v8;
	v11 =	vand.u32 $0x1EF, v11;
	v12 =	vsel vm1, v10, v9  }
0x80: {  	v11 =	vsel vm2, v12, v11  }
0x81: {  	v11 =	vadd.s32 v1, v11  }
0x82: {  	[tilespmem:s26+$0x0] =	vst v11  }
0x83: {  	v11 =	vld [tilespmem:s29+$0x10];
	_ =	sdelay $0x4  }
0x84: {  	v11 =	vxor.u32 $0x80000000, v11  }
0x85: {  	(xrf0) =	vmax.scan.msk.u32 $0xffff, v11;
	_ =	sdelay $0x3  }
0x86: {  	v10 =	vperm.xlane v10, v3;
	_ =	sdelay $0x1  }
0x87: {  	vm1 =	vgt.s32 v9, v10;
	v11, _, _ =	vpop (xrf0)  }
0x88: {  	s2 =	sadd.s32 $0x30, s28;
	s28 =	smov.u32 s0;
	v9 =	vsel vm1, v9, v10;
	v10 =	vxor.u32 $0x80000000, v11  }
0x89: {  	v12 =	vor.u32 s2, v0;
	v11 =	vperm.xlane v10, v3;
	vm1 =	vgt.s32 v10, v9  }
.Ltmp5:
0x8a: {  	vm2 =	vlt.s32 v12, v8;
	v12 =	vand.u32 $0x1FF, v12;
	v10 =	vsel vm1, v10, v9;
	(pc) =	sbr.rel @p1 .LBB2_6-.Ltmp5, $4  }
0x8b: {  	v10 =	vsel vm2, v10, v12;
	vm1 =	vgt.s32 v9, v11  }
0x8c: {  	v10 =	vadd.s32 v1, v10;
	v9 =	vsel vm1, v9, v11  }
0x8d: {  	s29 =	sadd.s32 $0x40, s29;
	[tilespmem:s26+$0x10] =	vst v10  }
0x8e: {  	s0 =	sadd.s32 $0x40, s0;
	v10 =	vld [tilespmem:s29+$0xFFFFFFE0]  }
0x8f: {  	_ =	sdelay $0x3  }
0x90: {  	v10 =	vxor.u32 $0x80000000, v10  }
0x91: {  	(xrf0) =	vmax.scan.msk.u32 $0xffff, v10;
	_ =	sdelay $0x5  }
0x92: {  	v10, _, _ =	vpop (xrf0)  }
0x93: {  	v10 =	vxor.u32 $0x80000000, v10  }
0x94: {  	v11 =	vor.u32 s28, v0;
	vm1 =	vgt.s32 v10, v9  }
0x95: {  	vm2 =	vlt.s32 v11, v8;
	v11 =	vand.u32 $0x1CF, v11;
	v12 =	vsel vm1, v10, v9  }
0x96: {  	v11 =	vsel vm2, v12, v11  }
0x97: {  	s0 =	sadd.s32 $0x40, s26;
	v11 =	vadd.s32 v1, v11  }
0x98: {  	[tilespmem:s0+$0xFFFFFFE0] =	vst v11  }
0x99: {  	v11 =	vld [tilespmem:s29+$0xFFFFFFF0];
	_ =	sdelay $0x4  }
0x9a: {  	v11 =	vxor.u32 $0x80000000, v11  }
0x9b: {  	(xrf0) =	vmax.scan.msk.u32 $0xffff, v11;
	_ =	sdelay $0x3  }
0x9c: {  	v10 =	vperm.xlane v10, v3;
	_ =	sdelay $0x1  }
0x9d: {  	vm1 =	vgt.s32 v9, v10;
	v11, _, _ =	vpop (xrf0)  }
0x9e: {  	s2 =	sadd.s32 $0x10, s28;
	v9 =	vsel vm1, v9, v10;
	v52 =	vxor.u32 $0x80000000, v11  }
0x9f: {  	v53 =	vor.u32 s2, v0;
	vm1 =	vgt.s32 v52, v9  }
0xa0: {  	vm2 =	vlt.s32 v53, v8;
	v11 =	vand.u32 $0x1DF, v53;
	v54 =	vsel vm1, v52, v9  }
0xa1: {  	v11 =	vsel vm2, v54, v11  }
0xa2: {  	v11 =	vadd.s32 v1, v11  }
0xa3: {  	[tilespmem:s0+$0xFFFFFFF0] =	vst v11  }
0xa4: {  	v11 =	vld [tilespmem:s29+$0x0];
	_ =	sdelay $0x4  }
0xa5: {  	v11 =	vxor.u32 $0x80000000, v11  }
0xa6: {  	(xrf0) =	vmax.scan.msk.u32 $0xffff, v11;
	_ =	sdelay $0x3  }
0xa7: {  	v10 =	vperm.xlane v52, v3;
	_ =	sdelay $0x1  }
0xa8: {  	vm1 =	vgt.s32 v9, v10;
	v11, _, _ =	vpop (xrf0)  }
0xa9: {  	s11 =	sadd.s32 $0x20, s28;
	v9 =	vsel vm1, v9, v10;
	v55 =	vxor.u32 $0x80000000, v11  }
0xaa: {  	v56 =	vor.u32 s11, v0;
	vm1 =	vgt.s32 v55, v9  }
0xab: {  	vm2 =	vlt.s32 v56, v8;
	v11 =	vand.u32 $0x1EF, v56;
	v57 =	vsel vm1, v55, v9  }
0xac: {  	v11 =	vsel vm2, v57, v11  }
0xad: {  	v11 =	vadd.s32 v1, v11  }
0xae: {  	[tilespmem:s0+$0x0] =	vst v11  }
0xaf: {  	v11 =	vld [tilespmem:s29+$0x10];
	_ =	sdelay $0x4  }
0xb0: {  	v11 =	vxor.u32 $0x80000000, v11  }
0xb1: {  	v58 =	vxor.u32 $0x80000000, v8;
	(xrf0) =	vmax.scan.msk.u32 $0xffff, v11  }
0xb2: {  	(xrf0) =	vmax.scan.msk.u32 $0xffff, v58;
	_ =	sdelay $0x4  }
0xb3: {  	v59, _, _ =	vpop (xrf0)  }
0xb4: {  	v60, _, _ =	vpop (xrf0)  }
0xb5: {  	(v2sf) =	vpush v60, $0xF;
	_ =	sdelay $0xb  }
0xb6: {  	v10 =	vperm.xlane v55, v3;
	_ =	sdelay $0x1  }
0xb7: {  	vm1 =	vgt.s32 v9, v10  }
0xb8: {  	s13 =	sadd.s32 $0x30, s28;
	v9 =	vsel vm1, v9, v10;
	v61 =	vxor.u32 $0x80000000, v59;
	s5 =	spop (v2sf)  }
.Ltmp6:
0xb9: {  	v62 =	vor.u32 s13, v0;
	vm1 =	vgt.s32 v61, v9;
	s2 =	sxor.u32 $0x80000000, s5;
	(pc) =	sbr.rel .LBB2_8-.Ltmp6, $4  }
0xba: {  	v63 =	vand.u32 $0x1FF, v62;
	vm2 =	vlt.s32 v62, v8;
	v8 =	vsel vm1, v61, v9;
	p1 =	sgt.s32 s2, $0x0  }
0xbb: {  	s14 =	rddreg [dreg:$0x7];
	v8 =	vsel vm2, v8, v63;
	s2 =	simm.s32 @!p1 $0x0  }
0xbc: {  	s31 =	rddreg [dreg:$0x8];
	v8 =	vadd.s32 v1, v8;
	s26 =	smin.u32 s2, $0x800  }
0xbd: {  	s30 =	simm.s32 $0x0;
	[tilespmem:s0+$0x10] =	vst v8;
	s28 =	sadd.s32 s26, s14;
	s29 =	sadd.s32 s26, s31  }
.LBB2_19:
0xbe: {  	[tilespmem:s5+$0x9650] =	vst v7  }
0xbf: {  	[tilespmem:s5+$0x9660] =	vst v7  }
.LBB2_20:
0xc0: {  	s30 =	sadd.s32 $0x1, s30  }
0xc1: {  	p1 =	sne.s32 s30, $0x4  }
.Ltmp7:
0xc2: {  	_ = 	snop;
	(pc) =	sbr.rel @!p1 .LBB2_21-.Ltmp7, $4  }
0xc3: {  	s0 =	sadd.s32 s9, s0  }
0xc4: {  	s0 =	sshll.u32 s0, $0x5  }
0xc5: {  	s28 =	sadd.s32 $0xFFFFFE00, s28;
	s29 =	sadd.s32 $0xFFFFFE00, s29;
	s0 =	sadd.s32 s3, s0  }
0xc6: {  	[hbm4b:s0+s6] =	stream.linear.scatter [tilespmem:s4], [sflag:$0x3], $0x8000, $0x38;
	[tilespmem:$0x13A80] =	vst v63  }
.LBB2_8:
0xc7: {  	s0 =	sshll.u32 s30, $0x2  }
0xc8: {  	s31 =	sor.u32 s7, s0  }
0xc9: {  	s0 =	sshll.u32 s31, $0x7  }
0xca: {  	s5 =	ssub.s32 s26, s0  }
0xcb: {  	p2 =	slt.s32 s5, $0x1  }
.Ltmp8:
0xcc: {  	p1 =	seq.s32 s30, $0x0;
	(pc) =	sbr.rel @p2 .LBB2_10-.Ltmp8, $4  }
0xcd: {  	s2 =	simm.s32 @!p1 $0x2  }
0xce: {  	_ =	swait.ge @!p1 [sflag:s2], $0x8000  }
0xcf: {  	[sflag:s2] =	ssyncset.done @!p1 $0x0  }
0xd0: {  	[sflag:s2] =	ssyncadd.s32 @!p1 $0xFFFF8000  }
0xd1: {  	s2 =	sand.u32 $0x3FFFFF80, s0  }
0xd2: {  	v8 =	vld [tilespmem:s2+$0xA00];
	_ =	sdelay $0x4  }
0xd3: {  	v9 =	vshll.u32 v8, $0x1  }
0xd4: {  	v8 =	vand.u32 $0x7, v8;
	v9 =	vand.u32 $0xFFFFFFF0, v9  }
0xd5: {  	v8 =	vor.u32 v8, v9  }
0xd6: {  	v9 =	vperm.xlane v8, v4;
	_ =	sdelay $0x1  }
0xd7: {  	v8 =	vperm.xlane v8, v6;
	v9 =	vadd.s32 v5, v9;
	_ =	sdelay $0x1  }
0xd8: {  	v8 =	vadd.s32 v5, v8;
	_ =	sdelay $0x2  }
0xd9: {  	[tilespmem:s17], [sflag:$0x1] =	stream.indirect_vreg.gather [hbm4b:s1+s6], $0x80, v9, vm0, $0xb8;
	[tilespmem:$0x13A80] =	vst v63  }
0xda: {  	s8 =	simm.s32 $0x1A00  }
0xdb: {  	[tilespmem:s8], [sflag:$0x1] =	stream.indirect_vreg.gather [hbm4b:s1+s6], $0x80, v8, vm0, $0xb8;
	[tilespmem:$0x13A80] =	vst v63  }
0xdc: {  	v8 =	vld [tilespmem:s2+$0xA10];
	_ =	sdelay $0x4  }
0xdd: {  	v57 =	vshll.u32 v8, $0x1  }
0xde: {  	v8 =	vand.u32 $0x7, v8;
	v9 =	vand.u32 $0xFFFFFFF0, v57  }
0xdf: {  	v8 =	vor.u32 v8, v9  }
0xe0: {  	v9 =	vperm.xlane v8, v4;
	_ =	sdelay $0x1  }
0xe1: {  	v8 =	vperm.xlane v8, v6;
	v9 =	vadd.s32 v5, v9;
	_ =	sdelay $0x1  }
0xe2: {  	v8 =	vadd.s32 v5, v8;
	_ =	sdelay $0x1  }
0xe3: {  	s13 =	simm.s32 $0x2200  }
0xe4: {  	[tilespmem:s13], [sflag:$0x1] =	stream.indirect_vreg.gather [hbm4b:s1+s6], $0x80, v9, vm0, $0xb8;
	[tilespmem:$0x13A80] =	vst v63  }
0xe5: {  	s14 =	simm.s32 $0x2A00  }
0xe6: {  	[tilespmem:s14], [sflag:$0x1] =	stream.indirect_vreg.gather [hbm4b:s1+s6], $0x80, v8, vm0, $0xb8;
	[tilespmem:$0x13A80] =	vst v63  }
0xe7: {  	v8 =	vld [tilespmem:s2+$0xA20];
	_ =	sdelay $0x4  }
0xe8: {  	v58 =	vshll.u32 v8, $0x1  }
0xe9: {  	v8 =	vand.u32 $0x7, v8;
	v9 =	vand.u32 $0xFFFFFFF0, v58  }
0xea: {  	v8 =	vor.u32 v8, v9  }
0xeb: {  	v9 =	vperm.xlane v8, v4;
	_ =	sdelay $0x1  }
0xec: {  	v8 =	vperm.xlane v8, v6;
	v9 =	vadd.s32 v5, v9;
	_ =	sdelay $0x1  }
0xed: {  	v8 =	vadd.s32 v5, v8;
	_ =	sdelay $0x1  }
0xee: {  	s10 =	simm.s32 $0x3200  }
0xef: {  	[tilespmem:s10], [sflag:$0x1] =	stream.indirect_vreg.gather [hbm4b:s1+s6], $0x80, v9, vm0, $0xb8;
	[tilespmem:$0x13A80] =	vst v63  }
0xf0: {  	s11 =	simm.s32 $0x3A00  }
0xf1: {  	[tilespmem:s11], [sflag:$0x1] =	stream.indirect_vreg.gather [hbm4b:s1+s6], $0x80, v8, vm0, $0xb8;
	[tilespmem:$0x13A80] =	vst v63  }
0xf2: {  	v8 =	vld [tilespmem:s2+$0xA30];
	_ =	sdelay $0x4  }
0xf3: {  	v59 =	vshll.u32 v8, $0x1  }
0xf4: {  	v8 =	vand.u32 $0x7, v8;
	v9 =	vand.u32 $0xFFFFFFF0, v59  }
0xf5: {  	v8 =	vor.u32 v8, v9  }
0xf6: {  	v9 =	vperm.xlane v8, v4;
	_ =	sdelay $0x1  }
0xf7: {  	v8 =	vperm.xlane v8, v6;
	v9 =	vadd.s32 v5, v9;
	_ =	sdelay $0x1  }
0xf8: {  	v8 =	vadd.s32 v5, v8;
	_ =	sdelay $0x1  }
0xf9: {  	s13 =	simm.s32 $0x4200  }
0xfa: {  	[tilespmem:s13], [sflag:$0x1] =	stream.indirect_vreg.gather [hbm4b:s1+s6], $0x80, v9, vm0, $0xb8;
	[tilespmem:$0x13A80] =	vst v63  }
0xfb: {  	s14 =	simm.s32 $0x4A00  }
0xfc: {  	[tilespmem:s14], [sflag:$0x1] =	stream.indirect_vreg.gather [hbm4b:s1+s6], $0x80, v8, vm0, $0xb8;
	[tilespmem:$0x13A80] =	vst v63  }
0xfd: {  	v8 =	vld [tilespmem:s2+$0xA40];
	_ =	sdelay $0x4  }
0xfe: {  	v60 =	vshll.u32 v8, $0x1  }
0xff: {  	v8 =	vand.u32 $0x7, v8;
	v9 =	vand.u32 $0xFFFFFFF0, v60  }
0x100: {  	v8 =	vor.u32 v8, v9  }
0x101: {  	v9 =	vperm.xlane v8, v4;
	_ =	sdelay $0x1  }
0x102: {  	v8 =	vperm.xlane v8, v6;
	v9 =	vadd.s32 v5, v9;
	_ =	sdelay $0x1  }
0x103: {  	v8 =	vadd.s32 v5, v8;
	_ =	sdelay $0x1  }
0x104: {  	s10 =	simm.s32 $0x5200  }
0x105: {  	[tilespmem:s10], [sflag:$0x1] =	stream.indirect_vreg.gather [hbm4b:s1+s6], $0x80, v9, vm0, $0xb8;
	[tilespmem:$0x13A80] =	vst v63  }
0x106: {  	s11 =	simm.s32 $0x5A00  }
0x107: {  	[tilespmem:s11], [sflag:$0x1] =	stream.indirect_vreg.gather [hbm4b:s1+s6], $0x80, v8, vm0, $0xb8;
	[tilespmem:$0x13A80] =	vst v63  }
0x108: {  	v8 =	vld [tilespmem:s2+$0xA50];
	_ =	sdelay $0x4  }
0x109: {  	v61 =	vshll.u32 v8, $0x1  }
0x10a: {  	v8 =	vand.u32 $0x7, v8;
	v9 =	vand.u32 $0xFFFFFFF0, v61  }
0x10b: {  	v8 =	vor.u32 v8, v9  }
0x10c: {  	v9 =	vperm.xlane v8, v4;
	_ =	sdelay $0x1  }
0x10d: {  	v8 =	vperm.xlane v8, v6;
	v9 =	vadd.s32 v5, v9;
	_ =	sdelay $0x1  }
0x10e: {  	v8 =	vadd.s32 v5, v8;
	_ =	sdelay $0x1  }
0x10f: {  	s13 =	simm.s32 $0x6200  }
0x110: {  	[tilespmem:s13], [sflag:$0x1] =	stream.indirect_vreg.gather [hbm4b:s1+s6], $0x80, v9, vm0, $0xb8;
	[tilespmem:$0x13A80] =	vst v63  }
0x111: {  	s14 =	simm.s32 $0x6A00  }
0x112: {  	[tilespmem:s14], [sflag:$0x1] =	stream.indirect_vreg.gather [hbm4b:s1+s6], $0x80, v8, vm0, $0xb8;
	[tilespmem:$0x13A80] =	vst v63  }
0x113: {  	v8 =	vld [tilespmem:s2+$0xA60];
	_ =	sdelay $0x4  }
0x114: {  	v62 =	vshll.u32 v8, $0x1  }
0x115: {  	v8 =	vand.u32 $0x7, v8;
	v9 =	vand.u32 $0xFFFFFFF0, v62  }
0x116: {  	v8 =	vor.u32 v8, v9  }
0x117: {  	v9 =	vperm.xlane v8, v4;
	_ =	sdelay $0x1  }
0x118: {  	v8 =	vperm.xlane v8, v6;
	v9 =	vadd.s32 v5, v9;
	_ =	sdelay $0x1  }
0x119: {  	v8 =	vadd.s32 v5, v8;
	_ =	sdelay $0x1  }
0x11a: {  	s10 =	simm.s32 $0x7200  }
0x11b: {  	[tilespmem:s10], [sflag:$0x1] =	stream.indirect_vreg.gather [hbm4b:s1+s6], $0x80, v9, vm0, $0xb8;
	[tilespmem:$0x13A80] =	vst v63  }
0x11c: {  	s11 =	simm.s32 $0x7A00  }
0x11d: {  	[tilespmem:s11], [sflag:$0x1] =	stream.indirect_vreg.gather [hbm4b:s1+s6], $0x80, v8, vm0, $0xb8;
	[tilespmem:$0x13A80] =	vst v63  }
0x11e: {  	v8 =	vld [tilespmem:s2+$0xA70];
	_ =	sdelay $0x4  }
0x11f: {  	v63 =	vshll.u32 v8, $0x1  }
0x120: {  	v8 =	vand.u32 $0x7, v8;
	v9 =	vand.u32 $0xFFFFFFF0, v63  }
0x121: {  	v8 =	vor.u32 v8, v9  }
0x122: {  	v9 =	vperm.xlane v8, v4;
	_ =	sdelay $0x1  }
0x123: {  	v8 =	vperm.xlane v8, v6;
	v9 =	vadd.s32 v5, v9;
	_ =	sdelay $0x1  }
0x124: {  	v8 =	vadd.s32 v5, v8;
	_ =	sdelay $0x1  }
0x125: {  	s13 =	simm.s32 $0x8200  }
0x126: {  	[tilespmem:s13], [sflag:$0x1] =	stream.indirect_vreg.gather [hbm4b:s1+s6], $0x80, v9, vm0, $0xb8;
	[tilespmem:$0x13A80] =	vst v63  }
0x127: {  	s14 =	simm.s32 $0x8A00  }
0x128: {  	[tilespmem:s14], [sflag:$0x1] =	stream.indirect_vreg.gather [hbm4b:s1+s6], $0x80, v8, vm0, $0xb8;
	[tilespmem:$0x13A80] =	vst v63  }
0x129: {  	_ =	swait.ge [sflag:s15], $0x8000  }
0x12a: {  	[sflag:s15] =	ssyncset.done $0x0  }
0x12b: {  	[sflag:s15] =	ssyncadd.s32 $0xFFFF8000  }
.LBB2_10:
0x12c: {  	p3 =	sgt.s32 s5, $0xFFFFFE00  }
0x12d: {  	p2 =	sgt.s32 s5, $0x0;
	s8 =	smov.u32 s5;
	s5 =	simm.s32 @!p3 $0xFFFFFE00  }
0x12e: {  	p3 =	slt.s32 s5, $0xFFFFFE80  }
0x12f: {  	s5 =	simm.s32 @!p3 $0xFFFFFE80  }
0x130: {  	s8 =	simm.s32 @!p2 $0x0;
	s2 =	sadd.s32 $0x200, s5  }
0x131: {  	s8 =	smin.u32 s8, $0x80;
	s2 =	simm.s32 @p1 $0x80  }
0x132: {  	p2 =	sge.u32 s8, s2  }
.Ltmp9:
0x133: {  	_ = 	snop;
	(pc) =	sbr.rel @p2 .LBB2_14-.Ltmp9, $1  }
0x134: {  	_ =	sdelay $0x3  }
0x135: {  	p2 =	sgt.s32 s28, $0x0;
	s5 =	smov.u32 s28  }
0x136: {  	s5 =	simm.s32 @!p2 $0x0  }
0x137: {  	s5 =	smin.u32 s5, $0x80  }
0x138: {  	s14 =	sshll.u32 s5, $0x7;
	s10 =	sshll.u32 s5, $0x8  }
0x139: {  	s5 =	sand.u32 $0x7FFFF800, s10;
	s13 =	sand.u32 $0x380, s14  }
0x13a: {  	s5 =	sor.u32 s13, s5  }
0x13b: {  	[tilespmem:s5+$0x1670] =	vst v7  }
0x13c: {  	[tilespmem:s5+$0x1200] =	vst v7  }
0x13d: {  	[tilespmem:s5+$0x1210] =	vst v7  }
0x13e: {  	[tilespmem:s5+$0x1220] =	vst v7  }
0x13f: {  	[tilespmem:s5+$0x1230] =	vst v7  }
0x140: {  	[tilespmem:s5+$0x1240] =	vst v7  }
0x141: {  	[tilespmem:s5+$0x1250] =	vst v7  }
0x142: {  	s13 =	sadd.s32 $0x1, s8;
	[tilespmem:s5+$0x1260] =	vst v7  }
0x143: {  	[tilespmem:s5+$0x1270] =	vst v7;
	p2 =	slt.u32 s13, s2  }
.Ltmp10:
0x144: {  	[tilespmem:s5+$0x1600] =	vst v7;
	(pc) =	sbr.rel @!p2 .LBB2_13-.Ltmp10, $4  }
0x145: {  	[tilespmem:s5+$0x1610] =	vst v7  }
0x146: {  	[tilespmem:s5+$0x1620] =	vst v7  }
0x147: {  	[tilespmem:s5+$0x1630] =	vst v7  }
0x148: {  	s14 =	sadd.s32 $0x80, s14;
	s8 =	sadd.s32 $0x100, s10;
	[tilespmem:s5+$0x1640] =	vst v7  }
.LBB2_12:
0x149: {  	s10 =	sand.u32 $0x7FFFF800, s8;
	s11 =	sand.u32 $0x380, s14;
	s13 =	sadd.s32 $0x1, s13;
	[tilespmem:s5+$0x1650] =	vst v7  }
0x14a: {  	p2 =	slt.u32 s13, s2;
	[tilespmem:s5+$0x1660] =	vst v7;
	s5 =	sor.u32 s11, s10  }
0x14b: {  	[tilespmem:s5+$0x1670] =	vst v7  }
0x14c: {  	[tilespmem:s5+$0x1200] =	vst v7  }
0x14d: {  	[tilespmem:s5+$0x1210] =	vst v7  }
0x14e: {  	[tilespmem:s5+$0x1220] =	vst v7  }
0x14f: {  	[tilespmem:s5+$0x1230] =	vst v7  }
0x150: {  	[tilespmem:s5+$0x1240] =	vst v7  }
0x151: {  	[tilespmem:s5+$0x1250] =	vst v7  }
0x152: {  	[tilespmem:s5+$0x1260] =	vst v7  }
0x153: {  	[tilespmem:s5+$0x1270] =	vst v7  }
.Ltmp11:
0x154: {  	[tilespmem:s5+$0x1600] =	vst v7;
	(pc) =	sbr.rel @p2 .LBB2_12-.Ltmp11, $4  }
0x155: {  	[tilespmem:s5+$0x1610] =	vst v7  }
0x156: {  	[tilespmem:s5+$0x1620] =	vst v7  }
0x157: {  	[tilespmem:s5+$0x1630] =	vst v7  }
0x158: {  	s14 =	sadd.s32 $0x80, s14;
	s8 =	sadd.s32 $0x100, s8;
	[tilespmem:s5+$0x1640] =	vst v7  }
.LBB2_13:
0x159: {  	[tilespmem:s5+$0x1650] =	vst v7  }
0x15a: {  	[tilespmem:s5+$0x1660] =	vst v7  }
.LBB2_14:
0x15b: {  	s0 =	sadd.s32 s9, s0  }
0x15c: {  	s0 =	sshll.u32 s0, $0x5  }
0x15d: {  	s31 =	sor.u32 $0x2, s31;
	s0 =	sadd.s32 s3, s0  }
0x15e: {  	[hbm4b:s0+s6] =	stream.linear.scatter [tilespmem:s17], [sflag:$0x2], $0x8000, $0x38;
	[tilespmem:$0x13A80] =	vst v63  }
0x15f: {  	s0 =	sshll.u32 s31, $0x7  }
0x160: {  	s5 =	ssub.s32 s26, s0  }
0x161: {  	p2 =	slt.s32 s5, $0x1  }
.Ltmp12:
0x162: {  	_ = 	snop;
	(pc) =	sbr.rel @p2 .LBB2_16-.Ltmp12, $4  }
0x163: {  	s2 =	simm.s32 @!p1 $0x3  }
0x164: {  	_ =	swait.ge @!p1 [sflag:s2], $0x8000  }
0x165: {  	[sflag:s2] =	ssyncset.done @!p1 $0x0  }
0x166: {  	[sflag:s2] =	ssyncadd.s32 @!p1 $0xFFFF8000  }
0x167: {  	s2 =	sand.u32 $0x3FFFFF80, s0  }
0x168: {  	v8 =	vld [tilespmem:s2+$0xA00];
	_ =	sdelay $0x4  }
0x169: {  	v9 =	vshll.u32 v8, $0x1  }
0x16a: {  	v8 =	vand.u32 $0x7, v8;
	v9 =	vand.u32 $0xFFFFFFF0, v9  }
0x16b: {  	v8 =	vor.u32 v8, v9  }
0x16c: {  	v9 =	vperm.xlane v8, v4;
	_ =	sdelay $0x1  }
0x16d: {  	v8 =	vperm.xlane v8, v6;
	v9 =	vadd.s32 v5, v9;
	_ =	sdelay $0x1  }
0x16e: {  	v8 =	vadd.s32 v5, v8;
	_ =	sdelay $0x2  }
0x16f: {  	[tilespmem:s4], [sflag:$0x1] =	stream.indirect_vreg.gather [hbm4b:s1+s6], $0x80, v9, vm0, $0xb8;
	[tilespmem:$0x13A80] =	vst v63  }
0x170: {  	s8 =	simm.s32 $0x9A00  }
0x171: {  	[tilespmem:s8], [sflag:$0x1] =	stream.indirect_vreg.gather [hbm4b:s1+s6], $0x80, v8, vm0, $0xb8;
	[tilespmem:$0x13A80] =	vst v63  }
0x172: {  	v8 =	vld [tilespmem:s2+$0xA10];
	_ =	sdelay $0x4  }
0x173: {  	v57 =	vshll.u32 v8, $0x1  }
0x174: {  	v8 =	vand.u32 $0x7, v8;
	v9 =	vand.u32 $0xFFFFFFF0, v57  }
0x175: {  	v8 =	vor.u32 v8, v9  }
0x176: {  	v9 =	vperm.xlane v8, v4;
	_ =	sdelay $0x1  }
0x177: {  	v8 =	vperm.xlane v8, v6;
	v9 =	vadd.s32 v5, v9;
	_ =	sdelay $0x1  }
0x178: {  	v8 =	vadd.s32 v5, v8;
	_ =	sdelay $0x1  }
0x179: {  	s10 =	simm.s32 $0xA200  }
0x17a: {  	[tilespmem:s10], [sflag:$0x1] =	stream.indirect_vreg.gather [hbm4b:s1+s6], $0x80, v9, vm0, $0xb8;
	[tilespmem:$0x13A80] =	vst v63  }
0x17b: {  	s11 =	simm.s32 $0xAA00  }
0x17c: {  	[tilespmem:s11], [sflag:$0x1] =	stream.indirect_vreg.gather [hbm4b:s1+s6], $0x80, v8, vm0, $0xb8;
	[tilespmem:$0x13A80] =	vst v63  }
0x17d: {  	v8 =	vld [tilespmem:s2+$0xA20];
	_ =	sdelay $0x4  }
0x17e: {  	v58 =	vshll.u32 v8, $0x1  }
0x17f: {  	v8 =	vand.u32 $0x7, v8;
	v9 =	vand.u32 $0xFFFFFFF0, v58  }
0x180: {  	v8 =	vor.u32 v8, v9  }
0x181: {  	v9 =	vperm.xlane v8, v4;
	_ =	sdelay $0x1  }
0x182: {  	v8 =	vperm.xlane v8, v6;
	v9 =	vadd.s32 v5, v9;
	_ =	sdelay $0x1  }
0x183: {  	v8 =	vadd.s32 v5, v8;
	_ =	sdelay $0x1  }
0x184: {  	s13 =	simm.s32 $0xB200  }
0x185: {  	[tilespmem:s13], [sflag:$0x1] =	stream.indirect_vreg.gather [hbm4b:s1+s6], $0x80, v9, vm0, $0xb8;
	[tilespmem:$0x13A80] =	vst v63  }
0x186: {  	s14 =	simm.s32 $0xBA00  }
0x187: {  	[tilespmem:s14], [sflag:$0x1] =	stream.indirect_vreg.gather [hbm4b:s1+s6], $0x80, v8, vm0, $0xb8;
	[tilespmem:$0x13A80] =	vst v63  }
0x188: {  	v8 =	vld [tilespmem:s2+$0xA30];
	_ =	sdelay $0x4  }
0x189: {  	v59 =	vshll.u32 v8, $0x1  }
0x18a: {  	v8 =	vand.u32 $0x7, v8;
	v9 =	vand.u32 $0xFFFFFFF0, v59  }
0x18b: {  	v8 =	vor.u32 v8, v9  }
0x18c: {  	v9 =	vperm.xlane v8, v4;
	_ =	sdelay $0x1  }
0x18d: {  	v8 =	vperm.xlane v8, v6;
	v9 =	vadd.s32 v5, v9;
	_ =	sdelay $0x1  }
0x18e: {  	v8 =	vadd.s32 v5, v8;
	_ =	sdelay $0x1  }
0x18f: {  	s31 =	simm.s32 $0xC200  }
0x190: {  	[tilespmem:s31], [sflag:$0x1] =	stream.indirect_vreg.gather [hbm4b:s1+s6], $0x80, v9, vm0, $0xb8;
	[tilespmem:$0x13A80] =	vst v63  }
0x191: {  	_ = 	snop  }
0x192: {  	[tilespmem:s12], [sflag:$0x1] =	stream.indirect_vreg.gather [hbm4b:s1+s6], $0x80, v8, vm0, $0xb8;
	[tilespmem:$0x13A80] =	vst v63  }
0x193: {  	v8 =	vld [tilespmem:s2+$0xA40];
	_ =	sdelay $0x4  }
0x194: {  	v60 =	vshll.u32 v8, $0x1  }
0x195: {  	v8 =	vand.u32 $0x7, v8;
	v9 =	vand.u32 $0xFFFFFFF0, v60  }
0x196: {  	v8 =	vor.u32 v8, v9  }
0x197: {  	v9 =	vperm.xlane v8, v4;
	_ =	sdelay $0x1  }
0x198: {  	v8 =	vperm.xlane v8, v6;
	v9 =	vadd.s32 v5, v9;
	_ =	sdelay $0x1  }
0x199: {  	v8 =	vadd.s32 v5, v8;
	_ =	sdelay $0x2  }
0x19a: {  	[tilespmem:s18], [sflag:$0x1] =	stream.indirect_vreg.gather [hbm4b:s1+s6], $0x80, v9, vm0, $0xb8;
	[tilespmem:$0x13A80] =	vst v63  }
0x19b: {  	_ = 	snop  }
0x19c: {  	[tilespmem:s19], [sflag:$0x1] =	stream.indirect_vreg.gather [hbm4b:s1+s6], $0x80, v8, vm0, $0xb8;
	[tilespmem:$0x13A80] =	vst v63  }
0x19d: {  	v8 =	vld [tilespmem:s2+$0xA50];
	_ =	sdelay $0x4  }
0x19e: {  	v61 =	vshll.u32 v8, $0x1  }
0x19f: {  	v8 =	vand.u32 $0x7, v8;
	v9 =	vand.u32 $0xFFFFFFF0, v61  }
0x1a0: {  	v8 =	vor.u32 v8, v9  }
0x1a1: {  	v9 =	vperm.xlane v8, v4;
	_ =	sdelay $0x1  }
0x1a2: {  	v8 =	vperm.xlane v8, v6;
	v9 =	vadd.s32 v5, v9;
	_ =	sdelay $0x1  }
0x1a3: {  	v8 =	vadd.s32 v5, v8;
	_ =	sdelay $0x2  }
0x1a4: {  	[tilespmem:s20], [sflag:$0x1] =	stream.indirect_vreg.gather [hbm4b:s1+s6], $0x80, v9, vm0, $0xb8;
	[tilespmem:$0x13A80] =	vst v63  }
0x1a5: {  	_ = 	snop  }
0x1a6: {  	[tilespmem:s21], [sflag:$0x1] =	stream.indirect_vreg.gather [hbm4b:s1+s6], $0x80, v8, vm0, $0xb8;
	[tilespmem:$0x13A80] =	vst v63  }
0x1a7: {  	v8 =	vld [tilespmem:s2+$0xA60];
	_ =	sdelay $0x4  }
0x1a8: {  	v62 =	vshll.u32 v8, $0x1  }
0x1a9: {  	v8 =	vand.u32 $0x7, v8;
	v9 =	vand.u32 $0xFFFFFFF0, v62  }
0x1aa: {  	v8 =	vor.u32 v8, v9  }
0x1ab: {  	v9 =	vperm.xlane v8, v4;
	_ =	sdelay $0x1  }
0x1ac: {  	v8 =	vperm.xlane v8, v6;
	v9 =	vadd.s32 v5, v9;
	_ =	sdelay $0x1  }
0x1ad: {  	v8 =	vadd.s32 v5, v8;
	_ =	sdelay $0x2  }
0x1ae: {  	[tilespmem:s22], [sflag:$0x1] =	stream.indirect_vreg.gather [hbm4b:s1+s6], $0x80, v9, vm0, $0xb8;
	[tilespmem:$0x13A80] =	vst v63  }
0x1af: {  	_ = 	snop  }
0x1b0: {  	[tilespmem:s23], [sflag:$0x1] =	stream.indirect_vreg.gather [hbm4b:s1+s6], $0x80, v8, vm0, $0xb8;
	[tilespmem:$0x13A80] =	vst v63  }
0x1b1: {  	v8 =	vld [tilespmem:s2+$0xA70];
	_ =	sdelay $0x4  }
0x1b2: {  	v63 =	vshll.u32 v8, $0x1  }
0x1b3: {  	v8 =	vand.u32 $0x7, v8;
	v9 =	vand.u32 $0xFFFFFFF0, v63  }
0x1b4: {  	v8 =	vor.u32 v8, v9  }
0x1b5: {  	v9 =	vperm.xlane v8, v4;
	_ =	sdelay $0x1  }
0x1b6: {  	v8 =	vperm.xlane v8, v6;
	v9 =	vadd.s32 v5, v9;
	_ =	sdelay $0x1  }
0x1b7: {  	v8 =	vadd.s32 v5, v8;
	_ =	sdelay $0x2  }
0x1b8: {  	[tilespmem:s24], [sflag:$0x1] =	stream.indirect_vreg.gather [hbm4b:s1+s6], $0x80, v9, vm0, $0xb8;
	[tilespmem:$0x13A80] =	vst v63  }
0x1b9: {  	_ = 	snop  }
0x1ba: {  	[tilespmem:s25], [sflag:$0x1] =	stream.indirect_vreg.gather [hbm4b:s1+s6], $0x80, v8, vm0, $0xb8;
	[tilespmem:$0x13A80] =	vst v63  }
0x1bb: {  	_ =	swait.ge [sflag:s15], $0x8000  }
0x1bc: {  	[sflag:s15] =	ssyncset.done $0x0  }
0x1bd: {  	[sflag:s15] =	ssyncadd.s32 $0xFFFF8000  }
.LBB2_16:
0x1be: {  	p3 =	sgt.s32 s5, $0xFFFFFE00  }
0x1bf: {  	p2 =	sgt.s32 s5, $0x0;
	s8 =	smov.u32 s5;
	s5 =	simm.s32 @!p3 $0xFFFFFE00  }
0x1c0: {  	p3 =	slt.s32 s5, $0xFFFFFE80  }
0x1c1: {  	s5 =	simm.s32 @!p3 $0xFFFFFE80  }
0x1c2: {  	s8 =	simm.s32 @!p2 $0x0;
	s2 =	sadd.s32 $0x200, s5  }
0x1c3: {  	s8 =	smin.u32 s8, $0x80;
	s2 =	simm.s32 @p1 $0x80  }
0x1c4: {  	p1 =	sge.u32 s8, s2  }
.Ltmp13:
0x1c5: {  	_ = 	snop;
	(pc) =	sbr.rel @p1 .LBB2_20-.Ltmp13, $1  }
0x1c6: {  	_ =	sdelay $0x3  }
0x1c7: {  	p1 =	sgt.s32 s29, $0x0;
	s5 =	smov.u32 s29  }
0x1c8: {  	s5 =	simm.s32 @!p1 $0x0  }
0x1c9: {  	s5 =	smin.u32 s5, $0x80  }
0x1ca: {  	s10 =	sshll.u32 s5, $0x7;
	s11 =	sshll.u32 s5, $0x8  }
0x1cb: {  	s5 =	sand.u32 $0x7FFFF800, s11;
	s13 =	sand.u32 $0x380, s10  }
0x1cc: {  	s5 =	sor.u32 s13, s5  }
0x1cd: {  	[tilespmem:s5+$0x9670] =	vst v7  }
0x1ce: {  	[tilespmem:s5+$0x9200] =	vst v7  }
0x1cf: {  	[tilespmem:s5+$0x9210] =	vst v7  }
0x1d0: {  	[tilespmem:s5+$0x9220] =	vst v7  }
0x1d1: {  	[tilespmem:s5+$0x9230] =	vst v7  }
0x1d2: {  	[tilespmem:s5+$0x9240] =	vst v7  }
0x1d3: {  	[tilespmem:s5+$0x9250] =	vst v7  }
0x1d4: {  	s13 =	sadd.s32 $0x1, s8;
	[tilespmem:s5+$0x9260] =	vst v7  }
0x1d5: {  	[tilespmem:s5+$0x9270] =	vst v7;
	p1 =	slt.u32 s13, s2  }
.Ltmp14:
0x1d6: {  	[tilespmem:s5+$0x9600] =	vst v7;
	(pc) =	sbr.rel @!p1 .LBB2_19-.Ltmp14, $4  }
0x1d7: {  	[tilespmem:s5+$0x9610] =	vst v7  }
0x1d8: {  	[tilespmem:s5+$0x9620] =	vst v7  }
0x1d9: {  	[tilespmem:s5+$0x9630] =	vst v7  }
0x1da: {  	s14 =	sadd.s32 $0x80, s10;
	s8 =	sadd.s32 $0x100, s11;
	[tilespmem:s5+$0x9640] =	vst v7  }
.LBB2_18:
0x1db: {  	s10 =	sand.u32 $0x7FFFF800, s8;
	s11 =	sand.u32 $0x380, s14;
	s13 =	sadd.s32 $0x1, s13;
	[tilespmem:s5+$0x9650] =	vst v7  }
0x1dc: {  	p1 =	slt.u32 s13, s2;
	[tilespmem:s5+$0x9660] =	vst v7;
	s5 =	sor.u32 s11, s10  }
0x1dd: {  	[tilespmem:s5+$0x9670] =	vst v7  }
0x1de: {  	[tilespmem:s5+$0x9200] =	vst v7  }
0x1df: {  	[tilespmem:s5+$0x9210] =	vst v7  }
0x1e0: {  	[tilespmem:s5+$0x9220] =	vst v7  }
0x1e1: {  	[tilespmem:s5+$0x9230] =	vst v7  }
0x1e2: {  	[tilespmem:s5+$0x9240] =	vst v7  }
0x1e3: {  	[tilespmem:s5+$0x9250] =	vst v7  }
0x1e4: {  	[tilespmem:s5+$0x9260] =	vst v7  }
0x1e5: {  	[tilespmem:s5+$0x9270] =	vst v7  }
.Ltmp15:
0x1e6: {  	[tilespmem:s5+$0x9600] =	vst v7;
	(pc) =	sbr.rel @p1 .LBB2_18-.Ltmp15, $4  }
0x1e7: {  	[tilespmem:s5+$0x9610] =	vst v7  }
0x1e8: {  	[tilespmem:s5+$0x9620] =	vst v7  }
0x1e9: {  	[tilespmem:s5+$0x9630] =	vst v7  }
0x1ea: {  	s14 =	sadd.s32 $0x80, s14;
	s8 =	sadd.s32 $0x100, s8;
	[tilespmem:s5+$0x9640] =	vst v7  }
.Ltmp16:
0x1eb: {  	_ = 	snop;
	(pc) =	sbr.rel .LBB2_19-.Ltmp16, $1  }
0x1ec: {  	_ =	sdelay $0x3  }
.LBB2_22:
0x1ed: {  	s28 =	simm.s32 $0x0  }
0x1ee: {  	s0 =	rddreg [dreg:$0x1];
	s2 =	simm.s32 $0x11A80;
	s26 =	simm.s32 $0x4  }
0x1ef: {  	[tilespmem:s2], [sflag:$0x4] =	stream.linear.gather [hbm4b:s0+s28], $0x2000, $0x38;
	[tilespmem:$0x13A80] =	vst v63  }
0x1f0: {  	s29 =	simm.s32 $0x200;
	s30 =	sand.u32 $0x1000, s28;
	_ =	swait.ge [sflag:s26], $0x2000  }
0x1f1: {  	s31 =	sand.u32 $0x380, s28;
	s0 =	simm.s32 $0x0;
	[sflag:s26] =	ssyncset.done $0x0  }
0x1f2: {  	s8 =	rddreg [dreg:$0x9];
	[sflag:s26] =	ssyncadd.s32 $0xFFFFE000;
	s26 =	sor.u32 s31, s30  }
.LBB2_23:
0x1f3: {  	p1 =	sne.s32 s29, $0x1E00;
	v8 =	vld [tilespmem:s26+$0x11A90]  }
0x1f4: {  	v9 =	vld [tilespmem:s26+$0x11A80]  }
0x1f5: {  	v10 =	vld [tilespmem:s26+$0x11AA0]  }
0x1f6: {  	v11 =	vld [tilespmem:s26+$0x11AB0]  }
0x1f7: {  	v12 =	vld [tilespmem:s26+$0x11AC0]  }
0x1f8: {  	v13 =	vld [tilespmem:s26+$0x11AD0]  }
0x1f9: {  	v8 =	vadd.s32 v8, v9;
	v9 =	vld [tilespmem:s26+$0x11AE0]  }
0x1fa: {  	v8 =	vadd.s32 v10, v8;
	v10 =	vld [tilespmem:s26+$0x11AF0]  }
0x1fb: {  	v8 =	vadd.s32 v11, v8;
	v11 =	vld [tilespmem:s26+$0x11E80]  }
0x1fc: {  	v8 =	vadd.s32 v8, v12;
	v12 =	vld [tilespmem:s26+$0x11E90]  }
0x1fd: {  	v8 =	vadd.s32 v13, v8;
	v13 =	vld [tilespmem:s26+$0x11EA0]  }
0x1fe: {  	v8 =	vadd.s32 v9, v8;
	v9 =	vld [tilespmem:s26+$0x11EB0]  }
0x1ff: {  	v8 =	vadd.s32 v10, v8;
	v10 =	vld [tilespmem:s26+$0x11EC0]  }
0x200: {  	v8 =	vadd.s32 v8, v11;
	v11 =	vld [tilespmem:s26+$0x11ED0]  }
0x201: {  	v8 =	vadd.s32 v12, v8;
	v12 =	vld [tilespmem:s26+$0x11EE0]  }
0x202: {  	v8 =	vadd.s32 v13, v8;
	v13 =	vld [tilespmem:s26+$0x11EF0]  }
0x203: {  	v8 =	vadd.s32 v9, v8;
	v9 =	vld [tilespmem:s26+$0x12280]  }
0x204: {  	v8 =	vadd.s32 v8, v10;
	v10 =	vld [tilespmem:s26+$0x12290]  }
0x205: {  	v8 =	vadd.s32 v11, v8;
	v11 =	vld [tilespmem:s26+$0x122A0]  }
0x206: {  	v8 =	vadd.s32 v12, v8;
	v12 =	vld [tilespmem:s26+$0x122B0]  }
0x207: {  	v8 =	vadd.s32 v13, v8;
	v13 =	vld [tilespmem:s26+$0x122C0]  }
0x208: {  	v8 =	vadd.s32 v8, v9;
	v9 =	vld [tilespmem:s26+$0x122D0]  }
0x209: {  	v8 =	vadd.s32 v10, v8;
	v10 =	vld [tilespmem:s26+$0x122E0]  }
0x20a: {  	v8 =	vadd.s32 v11, v8;
	v11 =	vld [tilespmem:s26+$0x122F0]  }
0x20b: {  	v8 =	vadd.s32 v12, v8;
	v12 =	vld [tilespmem:s26+$0x12680]  }
0x20c: {  	v8 =	vadd.s32 v8, v13;
	v13 =	vld [tilespmem:s26+$0x12690]  }
0x20d: {  	v8 =	vadd.s32 v9, v8;
	v9 =	vld [tilespmem:s26+$0x126A0]  }
0x20e: {  	v8 =	vadd.s32 v10, v8;
	v10 =	vld [tilespmem:s26+$0x126B0]  }
0x20f: {  	v8 =	vadd.s32 v11, v8;
	v11 =	vld [tilespmem:s26+$0x126C0]  }
0x210: {  	v8 =	vadd.s32 v8, v12;
	v12 =	vld [tilespmem:s26+$0x126D0]  }
0x211: {  	v8 =	vadd.s32 v13, v8;
	v13 =	vld [tilespmem:s26+$0x126E0]  }
0x212: {  	v8 =	vadd.s32 v9, v8;
	v9 =	vld [tilespmem:s26+$0x126F0]  }
0x213: {  	v8 =	vadd.s32 v10, v8  }
0x214: {  	v8 =	vadd.s32 v8, v11  }
0x215: {  	v8 =	vadd.s32 v12, v8  }
0x216: {  	v8 =	vadd.s32 v13, v8  }
0x217: {  	v8 =	vadd.s32 v9, v8  }
0x218: {  	(xrf0) =	vadd.scan.msk.s32 $0xffff, v8;
	_ =	sdelay $0x4  }
.Ltmp17:
0x219: {  	(pc) =	sbr.rel @p1 .LBB2_23-.Ltmp17, $4  }
0x21a: {  	v8, _, _ =	vpop (xrf0)  }
0x21b: {  	s28 =	sadd.s32 $0x80, s28;
	v8 =	vperm.xlane v8, v3  }
0x21c: {  	s2 =	sand.u32 $0x1000, s29;
	s0 =	sshra.s32 s0, $0x2;
	s5 =	sand.u32 $0x380, s28  }
0x21d: {  	s26 =	sor.u32 s5, s2;
	[tilespmem:s0+$0x11280] =	vst v8;
	s0 =	smov.u32 s29;
	s29 =	sadd.s32 $0x200, s29  }
0x21e: {  	v8 =	vld [tilespmem:s26+$0x11A90]  }
0x21f: {  	v9 =	vld [tilespmem:s26+$0x11A80]  }
0x220: {  	v10 =	vld [tilespmem:s26+$0x11AA0]  }
0x221: {  	v11 =	vld [tilespmem:s26+$0x11AB0]  }
0x222: {  	v12 =	vld [tilespmem:s26+$0x11AC0]  }
0x223: {  	v13 =	vld [tilespmem:s26+$0x11AD0]  }
0x224: {  	v37 =	vld [tilespmem:s26+$0x11AE0];
	v8 =	vadd.s32 v8, v9  }
0x225: {  	v38 =	vld [tilespmem:s26+$0x11AF0];
	v8 =	vadd.s32 v10, v8  }
0x226: {  	v39 =	vld [tilespmem:s26+$0x11E80];
	v8 =	vadd.s32 v11, v8  }
0x227: {  	v40 =	vld [tilespmem:s26+$0x11E90];
	v8 =	vadd.s32 v8, v12  }
0x228: {  	v41 =	vld [tilespmem:s26+$0x11EA0];
	v8 =	vadd.s32 v13, v8  }
0x229: {  	v42 =	vld [tilespmem:s26+$0x11EB0];
	v8 =	vadd.s32 v37, v8  }
0x22a: {  	v43 =	vld [tilespmem:s26+$0x11EC0];
	v8 =	vadd.s32 v38, v8  }
0x22b: {  	v44 =	vld [tilespmem:s26+$0x11ED0];
	v8 =	vadd.s32 v8, v39  }
0x22c: {  	v45 =	vld [tilespmem:s26+$0x11EE0];
	v8 =	vadd.s32 v40, v8  }
0x22d: {  	v46 =	vld [tilespmem:s26+$0x11EF0];
	v8 =	vadd.s32 v41, v8  }
0x22e: {  	v47 =	vld [tilespmem:s26+$0x12280];
	v8 =	vadd.s32 v42, v8  }
0x22f: {  	v48 =	vld [tilespmem:s26+$0x12290];
	v8 =	vadd.s32 v8, v43  }
0x230: {  	v49 =	vld [tilespmem:s26+$0x122A0];
	v8 =	vadd.s32 v44, v8  }
0x231: {  	v50 =	vld [tilespmem:s26+$0x122B0];
	v8 =	vadd.s32 v45, v8  }
0x232: {  	v51 =	vld [tilespmem:s26+$0x122C0];
	v8 =	vadd.s32 v46, v8  }
0x233: {  	v52 =	vld [tilespmem:s26+$0x122D0];
	v8 =	vadd.s32 v8, v47  }
0x234: {  	v53 =	vld [tilespmem:s26+$0x122E0];
	v8 =	vadd.s32 v48, v8  }
0x235: {  	v54 =	vld [tilespmem:s26+$0x122F0];
	v8 =	vadd.s32 v49, v8  }
0x236: {  	v55 =	vld [tilespmem:s26+$0x12680];
	v8 =	vadd.s32 v50, v8  }
0x237: {  	v56 =	vld [tilespmem:s26+$0x12690];
	v8 =	vadd.s32 v8, v51  }
0x238: {  	v57 =	vld [tilespmem:s26+$0x126A0];
	v8 =	vadd.s32 v52, v8  }
0x239: {  	v58 =	vld [tilespmem:s26+$0x126B0];
	v8 =	vadd.s32 v53, v8  }
0x23a: {  	v59 =	vld [tilespmem:s26+$0x126C0];
	v8 =	vadd.s32 v54, v8  }
0x23b: {  	v60 =	vld [tilespmem:s26+$0x126D0];
	v8 =	vadd.s32 v8, v55  }
0x23c: {  	v61 =	vld [tilespmem:s26+$0x126E0];
	v8 =	vadd.s32 v56, v8  }
0x23d: {  	v62 =	vld [tilespmem:s26+$0x126F0];
	v8 =	vadd.s32 v57, v8  }
0x23e: {  	v8 =	vadd.s32 v58, v8  }
0x23f: {  	v8 =	vadd.s32 v8, v59  }
0x240: {  	v8 =	vadd.s32 v60, v8  }
0x241: {  	v8 =	vadd.s32 v61, v8  }
0x242: {  	v8 =	vadd.s32 v62, v8  }
0x243: {  	(xrf0) =	vadd.scan.msk.s32 $0xffff, v8;
	_ =	sdelay $0x3  }
0x244: {  	v8 =	vmul.u32 $0x80, v0;
	_ =	sdelay $0x1  }
0x245: {  	v63, _, _ =	vpop (xrf0)  }
0x246: {  	v9 =	vperm.xlane v63, v3  }
0x247: {  	s0 =	sshra.s32 s0, $0x2  }
0x248: {  	s28 =	simm.s32 $0x11280;
	[tilespmem:s0+$0x11280] =	vst v9  }
0x249: {  	v8 =	vld.idx.msk [tilespmem:v8+s28+$0x0], $0xffff;
	_ =	sdelay $0x4  }
0x24a: {  	s29 =	simm.s32 $0x2;
	[tilespmem:$0x11200] =	vst v8  }
0x24b: {  	_ =	swait.ge [sflag:s29], $0x8000  }
0x24c: {  	[sflag:s29] =	ssyncset.done $0x0  }
0x24d: {  	s30 =	simm.s32 $0x3;
	[sflag:s29] =	ssyncadd.s32 $0xFFFF8000  }
0x24e: {  	_ =	swait.ge [sflag:s30], $0x8000  }
0x24f: {  	[sflag:s30] =	ssyncset.done $0x0  }
0x250: {  	s2 =	simm.s32 $0x11200;
	[sflag:s30] =	ssyncadd.s32 $0xFFFF8000  }
.Ltmp18:
0x251: {  	s31 =	simm.s32 $0x4;
	s0 =	rddreg [dreg:$0x3];
	(pc) =	sbr.rel .LBB2_26-.Ltmp18, $4  }
0x252: {  	[hbm4b:s0+s6] =	stream.linear.scatter [tilespmem:s2], [sflag:$0x4], $0x80, $0x38;
	[tilespmem:$0x13A80] =	vst v63  }
0x253: {  	_ =	swait.ge [sflag:s31], $0x80  }
0x254: {  	[sflag:s31] =	ssyncset.done $0x0  }
0x255: {  	[sflag:s31] =	ssyncadd.s32 $0xFFFFFF80  }
.LBB2_27:
0x256: {  	_ =	sfence.sel $0x180000  }
0x257: {  	[bflag:$0x0] =	sbarrier.arrive $0xFFFF  }
0x258: {  	_ =	strace $0x90000047  }
0x259: {  	s0 =	stileid.u32;
	[bflag:$0x2] =	sbarrier.arrive $0xFFFF  }
0x25a: {  	p0 =	sne.s32 s0, $0x0;
	s0 =	rddreg [dreg:$0x4]  }
0x25b: {  	s0 =	sadd.s32 @!p0 $0x100000, s0  }
0x25c: {  	[sflag:s0] =	ssyncadd.tile.s32 @!p0 $0x1;
	_ =	shalt  }
.Lfunc_end2:
_tile_overlayer_lowered:
.L_overlay_start_2:
0x25d: {  	(tag) =	ssettag $0x2  }
0x25e: {  	s0 =	rddreg [dreg:$0x0];
	s2 =	stileid.u32  }
0x25f: {  	s1 =	rddreg [dreg:$0x1];
	p0 =	sne.s32 s2, $0x0  }
0x260: {  	s3 =	rddreg [dreg:$0x2];
	[bflag:$0x3] =	sbarrier.arrive $0xFFFF;
	s2 =	simm.s32 @!p0 $0x1C04  }
0x261: {  	[timem:s3], [sflag:s2] =	dma.local @!p0 [hbm:s0], s1  }
0x262: {  	s0 =	simm.s32 @!p0 $0x4  }
0x263: {  	_ =	swait.ge @!p0 [sflag:s0], s1  }
0x264: {  	s1 =	ssub.s32 @!p0 $0x0, s1;
	[sflag:s0] =	ssyncset.done @!p0 $0x0  }
0x265: {  	[sflag:s0] =	ssyncadd.s32 @!p0 s1  }
0x266: {  	[bflag:$0x3] =	sbarrier.arrive $0xFFFF  }
0x267: {  	_ =	shalt  }

</sc_bundles>
